<compile_context>
chip_gen: v7x
topology: tpu7x:2x2x1
jax: 0.10.2.dev20260603
libtpu: 0.0.44.dev20260713+nightly
codegen_flags: <defaults>
</compile_context>

<pallas_src>
import functools

import jax
import jax.numpy as jnp
from jax import lax
from jax.experimental import pallas as pl
from jax.experimental.pallas import tpu as pltpu
from jax.experimental.pallas import tpu_sc as plsc

_VOCAB = 100000
_HIDDEN = 1024
_BATCH = 4
_SEQ = 2048
_B = _BATCH * _SEQ
_NC = 2
_NS = 16
_NW = _NC * _NS
_BPW = _B // _NW
_WPR = _SEQ // _BPW
_K = 16
_NCHUNK = _BPW // _K
_NBUF = 7
_DEPTH = 5

_mesh = plsc.VectorSubcoreMesh(core_axis_name="c", subcore_axis_name="s")


@functools.partial(
    pl.kernel,
    mesh=_mesh,
    out_type=jax.ShapeDtypeStruct((_B, _HIDDEN), jnp.float32),
    scratch_types=(
        [pltpu.VMEM((_BPW,), jnp.int32)]
        + [pltpu.VMEM((_K, _HIDDEN), jnp.float32) for _ in range(_NBUF)]
        + [pltpu.SemaphoreType.DMA for _ in range(2 * _NBUF)]
    ),
)
def _gather_kernel(idx_hbm, table_hbm, out_hbm, idx_v, *rest):
    bufs = rest[:_NBUF]
    gsems = rest[_NBUF:2 * _NBUF]
    osems = rest[2 * _NBUF:]
    wid = lax.axis_index("s") * _NC + lax.axis_index("c")
    base = wid * _BPW
    row = wid // _WPR
    col = (wid % _WPR) * _BPW
    pltpu.sync_copy(idx_hbm.at[row, pl.ds(col, _BPW)], idx_v)

    def gather(c):
        r = c % _NBUF
        pltpu.async_copy(
            table_hbm.at[idx_v.at[pl.ds(c * _K, _K)]], bufs[r], gsems[r])

    def out_slice(c):
        return out_hbm.at[pl.ds(base + c * _K, _K)]

    for c in range(_DEPTH):
        gather(c)
    for c in range(_NCHUNK):
        r = c % _NBUF
        pltpu.make_async_copy(
            table_hbm.at[idx_v.at[pl.ds(c * _K, _K)]], bufs[r], gsems[r]).wait()
        pltpu.async_copy(bufs[r], out_slice(c), osems[r])
        n = c + _DEPTH
        if n < _NCHUNK:
            nr = n % _NBUF
            prev = n - _NBUF
            if prev >= 0:
                pltpu.make_async_copy(bufs[nr], out_slice(prev), osems[nr]).wait()
            gather(n)
    for c in range(_NCHUNK - _NBUF, _NCHUNK):
        if c >= 0:
            r = c % _NBUF
            pltpu.make_async_copy(bufs[r], out_slice(c), osems[r]).wait()


def kernel(idx, weight):
    batch, seq = idx.shape
    out = _gather_kernel(idx, weight)
    return out.reshape(batch, seq, weight.shape[1])

# --- scband reference (transcript-rebuilt; emitter-appended) ---
"""Pipeline reference for scband-vocab-parallel-embedding-35862976921833 (READ-ONLY COPY).

The authoritative reference and input builder live on the scoring server;
editing this copy changes nothing except your own understanding.
"""

import jax, jax.numpy as jnp
import numpy as np

VOCAB = 100000
HIDDEN = 1024
BATCH = 4
SEQ = 2048


def setup_inputs(seed: int = 0) -> dict:
    key = jax.random.key(seed)
    k1, k2 = jax.random.split(key)
    idx = jax.random.randint(k1, (BATCH, SEQ), 0, VOCAB, dtype=jnp.int32)
    # xavier-normal-ish init for the embedding table (the learned parameter)
    std = float(np.sqrt(2.0 / (VOCAB + HIDDEN)))
    weight = jax.random.normal(k2, (VOCAB, HIDDEN), dtype=jnp.float32) * std
    return {"idx": idx, "weight": weight}


def reference(idx, weight):
    # Single-partition (summa_dim=1, all ranks=0) reduction of the SUMMA
    # VocabParallelEmbedding: vocab_start=0, vocab_end=vocab_size, so the
    # out-of-range mask is all-False and the sparse one-hot matmul
    # (idx_sparse @ weight) reduces exactly to a row gather from the table.
    batch_pp, seq_length = idx.shape
    flat_idx = idx.reshape(-1)
    # mask of indices outside this partition's vocab range (empty here, kept faithful)
    mask = (flat_idx < 0) | (flat_idx >= weight.shape[0])
    safe_idx = jnp.where(mask, 0, flat_idx)
    gathered = jnp.take(weight, safe_idx, axis=0)
    gathered = jnp.where(mask[:, None], 0.0, gathered)
    output = gathered.reshape(batch_pp, seq_length, weight.shape[1])
    return output

if __name__ == "__main__":
    import jax
    _d = setup_inputs()
    print(jax.jit(kernel)(*tuple(_d.values())))

</pallas_src>

<mosaic_0001>
#map = affine_map<(d0, d1) -> (0, 0)>
module attributes {stable_mosaic.version = 14 : i64} {
  func.func @_gather_kernel(%arg0: i32, %arg1: i32, %arg2: memref<4x2048xi32, #tpu.memory_space<hbm>>, %arg3: memref<100000x1024xf32, #tpu.memory_space<hbm>>, %arg4: memref<8192x1024xf32, #tpu.memory_space<hbm>>, %arg5: memref<256xi32, #tpu.memory_space<vmem>>, %arg6: memref<16x1024xf32, #tpu.memory_space<vmem>>, %arg7: memref<16x1024xf32, #tpu.memory_space<vmem>>, %arg8: memref<16x1024xf32, #tpu.memory_space<vmem>>, %arg9: memref<16x1024xf32, #tpu.memory_space<vmem>>, %arg10: memref<16x1024xf32, #tpu.memory_space<vmem>>, %arg11: memref<16x1024xf32, #tpu.memory_space<vmem>>, %arg12: memref<16x1024xf32, #tpu.memory_space<vmem>>, %arg13: memref<!tpu.dma_semaphore, #tpu.memory_space<semaphore_mem>>, %arg14: memref<!tpu.dma_semaphore, #tpu.memory_space<semaphore_mem>>, %arg15: memref<!tpu.dma_semaphore, #tpu.memory_space<semaphore_mem>>, %arg16: memref<!tpu.dma_semaphore, #tpu.memory_space<semaphore_mem>>, %arg17: memref<!tpu.dma_semaphore, #tpu.memory_space<semaphore_mem>>, %arg18: memref<!tpu.dma_semaphore, #tpu.memory_space<semaphore_mem>>, %arg19: memref<!tpu.dma_semaphore, #tpu.memory_space<semaphore_mem>>, %arg20: memref<!tpu.dma_semaphore, #tpu.memory_space<semaphore_mem>>, %arg21: memref<!tpu.dma_semaphore, #tpu.memory_space<semaphore_mem>>, %arg22: memref<!tpu.dma_semaphore, #tpu.memory_space<semaphore_mem>>, %arg23: memref<!tpu.dma_semaphore, #tpu.memory_space<semaphore_mem>>, %arg24: memref<!tpu.dma_semaphore, #tpu.memory_space<semaphore_mem>>, %arg25: memref<!tpu.dma_semaphore, #tpu.memory_space<semaphore_mem>>, %arg26: memref<!tpu.dma_semaphore, #tpu.memory_space<semaphore_mem>>) attributes {dimension_semantics = [#tpu.dimension_semantics<core_parallel>, #tpu.dimension_semantics<subcore_parallel>], iteration_bounds = array<i64: 2, 16>, scalar_prefetch = 0 : i64, scratch_operands = 22 : i64, tpu.core_type = #tpu.core_type<sc_vector_subcore>, window_params = [{transform_indices = #map}, {transform_indices = #map}, {transform_indices = #map}]} {
    %mul3A = arith.constant 2 : i32
    %mul3A_0 = arith.muli %arg1, %mul3A : i32
    %add3A = arith.addi %mul3A_0, %arg0 : i32
    %mul3A_1 = arith.constant 256 : i32
    %mul3A_2 = arith.muli %add3A, %mul3A_1 : i32
    %jit3A = arith.constant 8 : i32
    %div3A = arith.divsi %add3A, %jit3A : i32
    %sign3A = arith.constant 0 : i32
    %sign3A_3 = arith.cmpi sgt, %add3A, %sign3A : i32
    %sign3A_4 = arith.extui %sign3A_3 : i1 to i32
    %sign3A_5 = arith.constant 0 : i32
    %sign3A_6 = arith.cmpi slt, %add3A, %sign3A_5 : i32
    %sign3A_7 = arith.extui %sign3A_6 : i1 to i32
    %sign3A_8 = arith.subi %sign3A_4, %sign3A_7 : i32
    %sign3A_9 = arith.constant 0 : i32
    %sign3A_10 = arith.cmpi sgt, %jit3A, %sign3A_9 : i32
    %sign3A_11 = arith.extui %sign3A_10 : i1 to i32
    %sign3A_12 = arith.constant 0 : i32
    %sign3A_13 = arith.cmpi slt, %jit3A, %sign3A_12 : i32
    %sign3A_14 = arith.extui %sign3A_13 : i1 to i32
    %sign3A_15 = arith.subi %sign3A_11, %sign3A_14 : i32
    %ne3A = arith.cmpi ne, %sign3A_8, %sign3A_15 : i32
    %rem3A = arith.remsi %add3A, %jit3A : i32
    %ne3A_16 = arith.constant 0 : i32
    %ne3A_17 = arith.cmpi ne, %rem3A, %ne3A_16 : i32
    %and3A = arith.andi %ne3A, %ne3A_17 : i1
    %sub3A = arith.constant 1 : i32
    %sub3A_18 = arith.subi %div3A, %sub3A : i32
    %select_n3A = arith.select %and3A, %sub3A_18, %div3A : i32
    %jit3A_19 = arith.constant 8 : i32
    %eq3A = arith.constant 0 : i32
    %eq3A_20 = arith.cmpi eq, %jit3A_19, %eq3A : i32
    %jit3A_21 = arith.constant 1 : i32
    %select_n3A_22 = arith.select %eq3A_20, %jit3A_21, %jit3A_19 : i32
    %rem3A_23 = arith.remsi %add3A, %select_n3A_22 : i32
    %ne3A_24 = arith.constant 0 : i32
    %ne3A_25 = arith.cmpi ne, %rem3A_23, %ne3A_24 : i32
    %lt3A = arith.constant 0 : i32
    %lt3A_26 = arith.cmpi slt, %rem3A_23, %lt3A : i32
    %lt3A_27 = arith.constant 0 : i32
    %lt3A_28 = arith.cmpi slt, %select_n3A_22, %lt3A_27 : i32
    %ne3A_29 = arith.xori %lt3A_26, %lt3A_28 : i1
    %and3A_30 = arith.andi %ne3A_29, %ne3A_25 : i1
    %add3A_31 = arith.addi %rem3A_23, %select_n3A_22 : i32
    %select_n3A_32 = arith.select %and3A_30, %add3A_31, %rem3A_23 : i32
    %mul3A_33 = arith.constant 256 : i32
    %mul3A_34 = arith.muli %select_n3A_32, %mul3A_33 : i32
    "tpu.region"() ({
      %run_scoped3A = tpu.sem_alloc : memref<!tpu.dma_semaphore, #tpu.memory_space<semaphore_mem>>
      %dma_start3A_385 = tpu.memref_slice %arg2[%select_n3A, %mul3A_34] : memref<4x2048xi32, #tpu.memory_space<hbm>> -> memref<1x256xi32, #tpu.memory_space<hbm>>
      %dma_start3A_386 = tpu.memref_squeeze %dma_start3A_385 : memref<1x256xi32, #tpu.memory_space<hbm>> -> memref<256xi32, #tpu.memory_space<hbm>>
      %dma_start3A_387 = tpu.memref_slice %arg2[%select_n3A, %mul3A_34] : memref<4x2048xi32, #tpu.memory_space<hbm>> -> memref<1x256xi32, #tpu.memory_space<hbm>>
      %dma_start3A_388 = tpu.memref_squeeze %dma_start3A_387 : memref<1x256xi32, #tpu.memory_space<hbm>> -> memref<256xi32, #tpu.memory_space<hbm>>
      tpu.enqueue_dma source(%dma_start3A_388 : memref<256xi32, #tpu.memory_space<hbm>>) target(%arg5 : memref<256xi32, #tpu.memory_space<vmem>>) target_semaphore(%run_scoped3A : memref<!tpu.dma_semaphore, #tpu.memory_space<semaphore_mem>>)
      %dma_wait3A_389 = tpu.memref_slice %arg2[%select_n3A, %mul3A_34] : memref<4x2048xi32, #tpu.memory_space<hbm>> -> memref<1x256xi32, #tpu.memory_space<hbm>>
      %dma_wait3A_390 = tpu.memref_squeeze %dma_wait3A_389 : memref<1x256xi32, #tpu.memory_space<hbm>> -> memref<256xi32, #tpu.memory_space<hbm>>
      %dma_wait3A_391 = tpu.memref_slice %arg2[%select_n3A, %mul3A_34] : memref<4x2048xi32, #tpu.memory_space<hbm>> -> memref<1x256xi32, #tpu.memory_space<hbm>>
      %dma_wait3A_392 = tpu.memref_squeeze %dma_wait3A_391 : memref<1x256xi32, #tpu.memory_space<hbm>> -> memref<256xi32, #tpu.memory_space<hbm>>
      tpu.wait_dma2 semaphore(%run_scoped3A : memref<!tpu.dma_semaphore, #tpu.memory_space<semaphore_mem>>) src(%dma_wait3A_392 : memref<256xi32, #tpu.memory_space<hbm>>) dst(%arg5 : memref<256xi32, #tpu.memory_space<vmem>>)
      tpu.yield
    }) : () -> ()
    %dma_start3A = arith.constant 0 : i32
    %dma_start3A_35 = tpu.memref_slice %arg5[%dma_start3A] : memref<256xi32, #tpu.memory_space<vmem>> -> memref<16xi32, #tpu.memory_space<vmem>>
    %dma_start3A_36 = arith.constant 0 : i32
    %dma_start3A_37 = arith.constant 0 : i32
    %dma_start3A_38 = tpu.memref_slice %arg3[%dma_start3A_36, %dma_start3A_37] : memref<100000x1024xf32, #tpu.memory_space<hbm>> -> memref<100000x1024xf32, #tpu.memory_space<hbm>>
    tpu.enqueue_indirect_dma source(%dma_start3A_38 : memref<100000x1024xf32, #tpu.memory_space<hbm>>) target(%arg6 : memref<16x1024xf32, #tpu.memory_space<vmem>>) offsets(%dma_start3A_35 : memref<16xi32, #tpu.memory_space<vmem>>) semaphore(%arg13 : memref<!tpu.dma_semaphore, #tpu.memory_space<semaphore_mem>>)
    %dma_start3A_39 = arith.constant 16 : i32
    %dma_start3A_40 = tpu.memref_slice %arg5[%dma_start3A_39] : memref<256xi32, #tpu.memory_space<vmem>> -> memref<16xi32, #tpu.memory_space<vmem>>
    %dma_start3A_41 = arith.constant 0 : i32
    %dma_start3A_42 = arith.constant 0 : i32
    %dma_start3A_43 = tpu.memref_slice %arg3[%dma_start3A_41, %dma_start3A_42] : memref<100000x1024xf32, #tpu.memory_space<hbm>> -> memref<100000x1024xf32, #tpu.memory_space<hbm>>
    tpu.enqueue_indirect_dma source(%dma_start3A_43 : memref<100000x1024xf32, #tpu.memory_space<hbm>>) target(%arg7 : memref<16x1024xf32, #tpu.memory_space<vmem>>) offsets(%dma_start3A_40 : memref<16xi32, #tpu.memory_space<vmem>>) semaphore(%arg14 : memref<!tpu.dma_semaphore, #tpu.memory_space<semaphore_mem>>)
    %dma_start3A_44 = arith.constant 32 : i32
    %dma_start3A_45 = tpu.memref_slice %arg5[%dma_start3A_44] : memref<256xi32, #tpu.memory_space<vmem>> -> memref<16xi32, #tpu.memory_space<vmem>>
    %dma_start3A_46 = arith.constant 0 : i32
    %dma_start3A_47 = arith.constant 0 : i32
    %dma_start3A_48 = tpu.memref_slice %arg3[%dma_start3A_46, %dma_start3A_47] : memref<100000x1024xf32, #tpu.memory_space<hbm>> -> memref<100000x1024xf32, #tpu.memory_space<hbm>>
    tpu.enqueue_indirect_dma source(%dma_start3A_48 : memref<100000x1024xf32, #tpu.memory_space<hbm>>) target(%arg8 : memref<16x1024xf32, #tpu.memory_space<vmem>>) offsets(%dma_start3A_45 : memref<16xi32, #tpu.memory_space<vmem>>) semaphore(%arg15 : memref<!tpu.dma_semaphore, #tpu.memory_space<semaphore_mem>>)
    %dma_start3A_49 = arith.constant 48 : i32
    %dma_start3A_50 = tpu.memref_slice %arg5[%dma_start3A_49] : memref<256xi32, #tpu.memory_space<vmem>> -> memref<16xi32, #tpu.memory_space<vmem>>
    %dma_start3A_51 = arith.constant 0 : i32
    %dma_start3A_52 = arith.constant 0 : i32
    %dma_start3A_53 = tpu.memref_slice %arg3[%dma_start3A_51, %dma_start3A_52] : memref<100000x1024xf32, #tpu.memory_space<hbm>> -> memref<100000x1024xf32, #tpu.memory_space<hbm>>
    tpu.enqueue_indirect_dma source(%dma_start3A_53 : memref<100000x1024xf32, #tpu.memory_space<hbm>>) target(%arg9 : memref<16x1024xf32, #tpu.memory_space<vmem>>) offsets(%dma_start3A_50 : memref<16xi32, #tpu.memory_space<vmem>>) semaphore(%arg16 : memref<!tpu.dma_semaphore, #tpu.memory_space<semaphore_mem>>)
    %dma_start3A_54 = arith.constant 64 : i32
    %dma_start3A_55 = tpu.memref_slice %arg5[%dma_start3A_54] : memref<256xi32, #tpu.memory_space<vmem>> -> memref<16xi32, #tpu.memory_space<vmem>>
    %dma_start3A_56 = arith.constant 0 : i32
    %dma_start3A_57 = arith.constant 0 : i32
    %dma_start3A_58 = tpu.memref_slice %arg3[%dma_start3A_56, %dma_start3A_57] : memref<100000x1024xf32, #tpu.memory_space<hbm>> -> memref<100000x1024xf32, #tpu.memory_space<hbm>>
    tpu.enqueue_indirect_dma source(%dma_start3A_58 : memref<100000x1024xf32, #tpu.memory_space<hbm>>) target(%arg10 : memref<16x1024xf32, #tpu.memory_space<vmem>>) offsets(%dma_start3A_55 : memref<16xi32, #tpu.memory_space<vmem>>) semaphore(%arg17 : memref<!tpu.dma_semaphore, #tpu.memory_space<semaphore_mem>>)
    %dma_wait3A = arith.constant 0 : i32
    %dma_wait3A_59 = tpu.memref_slice %arg5[%dma_wait3A] : memref<256xi32, #tpu.memory_space<vmem>> -> memref<16xi32, #tpu.memory_space<vmem>>
    %dma_wait3A_60 = arith.constant 0 : i32
    %dma_wait3A_61 = arith.constant 0 : i32
    %dma_wait3A_62 = tpu.memref_slice %arg3[%dma_wait3A_60, %dma_wait3A_61] : memref<100000x1024xf32, #tpu.memory_space<hbm>> -> memref<100000x1024xf32, #tpu.memory_space<hbm>>
    tpu.wait_indirect_dma semaphore(%arg13 : memref<!tpu.dma_semaphore, #tpu.memory_space<semaphore_mem>>) src(%dma_wait3A_62 : memref<100000x1024xf32, #tpu.memory_space<hbm>>) dst(%arg6 : memref<16x1024xf32, #tpu.memory_space<vmem>>)
    %add3A_63 = arith.constant 0 : i32
    %add3A_64 = arith.addi %mul3A_2, %add3A_63 : i32
    %dma_start3A_65 = arith.constant 0 : i32
    %dma_start3A_66 = tpu.memref_slice %arg4[%add3A_64, %dma_start3A_65] : memref<8192x1024xf32, #tpu.memory_space<hbm>> -> memref<16x1024xf32, #tpu.memory_space<hbm>>
    %dma_start3A_67 = arith.constant 0 : i32
    %dma_start3A_68 = tpu.memref_slice %arg4[%add3A_64, %dma_start3A_67] : memref<8192x1024xf32, #tpu.memory_space<hbm>> -> memref<16x1024xf32, #tpu.memory_space<hbm>>
    tpu.enqueue_dma source(%arg6 : memref<16x1024xf32, #tpu.memory_space<vmem>>) target(%dma_start3A_68 : memref<16x1024xf32, #tpu.memory_space<hbm>>) target_semaphore(%arg20 : memref<!tpu.dma_semaphore, #tpu.memory_space<semaphore_mem>>)
    %dma_start3A_69 = arith.constant 80 : i32
    %dma_start3A_70 = tpu.memref_slice %arg5[%dma_start3A_69] : memref<256xi32, #tpu.memory_space<vmem>> -> memref<16xi32, #tpu.memory_space<vmem>>
    %dma_start3A_71 = arith.constant 0 : i32
    %dma_start3A_72 = arith.constant 0 : i32
    %dma_start3A_73 = tpu.memref_slice %arg3[%dma_start3A_71, %dma_start3A_72] : memref<100000x1024xf32, #tpu.memory_space<hbm>> -> memref<100000x1024xf32, #tpu.memory_space<hbm>>
    tpu.enqueue_indirect_dma source(%dma_start3A_73 : memref<100000x1024xf32, #tpu.memory_space<hbm>>) target(%arg11 : memref<16x1024xf32, #tpu.memory_space<vmem>>) offsets(%dma_start3A_70 : memref<16xi32, #tpu.memory_space<vmem>>) semaphore(%arg18 : memref<!tpu.dma_semaphore, #tpu.memory_space<semaphore_mem>>)
    %dma_wait3A_74 = arith.constant 16 : i32
    %dma_wait3A_75 = tpu.memref_slice %arg5[%dma_wait3A_74] : memref<256xi32, #tpu.memory_space<vmem>> -> memref<16xi32, #tpu.memory_space<vmem>>
    %dma_wait3A_76 = arith.constant 0 : i32
    %dma_wait3A_77 = arith.constant 0 : i32
    %dma_wait3A_78 = tpu.memref_slice %arg3[%dma_wait3A_76, %dma_wait3A_77] : memref<100000x1024xf32, #tpu.memory_space<hbm>> -> memref<100000x1024xf32, #tpu.memory_space<hbm>>
    tpu.wait_indirect_dma semaphore(%arg14 : memref<!tpu.dma_semaphore, #tpu.memory_space<semaphore_mem>>) src(%dma_wait3A_78 : memref<100000x1024xf32, #tpu.memory_space<hbm>>) dst(%arg7 : memref<16x1024xf32, #tpu.memory_space<vmem>>)
    %add3A_79 = arith.constant 16 : i32
    %add3A_80 = arith.addi %mul3A_2, %add3A_79 : i32
    %dma_start3A_81 = arith.constant 0 : i32
    %dma_start3A_82 = tpu.memref_slice %arg4[%add3A_80, %dma_start3A_81] : memref<8192x1024xf32, #tpu.memory_space<hbm>> -> memref<16x1024xf32, #tpu.memory_space<hbm>>
    %dma_start3A_83 = arith.constant 0 : i32
    %dma_start3A_84 = tpu.memref_slice %arg4[%add3A_80, %dma_start3A_83] : memref<8192x1024xf32, #tpu.memory_space<hbm>> -> memref<16x1024xf32, #tpu.memory_space<hbm>>
    tpu.enqueue_dma source(%arg7 : memref<16x1024xf32, #tpu.memory_space<vmem>>) target(%dma_start3A_84 : memref<16x1024xf32, #tpu.memory_space<hbm>>) target_semaphore(%arg21 : memref<!tpu.dma_semaphore, #tpu.memory_space<semaphore_mem>>)
    %dma_start3A_85 = arith.constant 96 : i32
    %dma_start3A_86 = tpu.memref_slice %arg5[%dma_start3A_85] : memref<256xi32, #tpu.memory_space<vmem>> -> memref<16xi32, #tpu.memory_space<vmem>>
    %dma_start3A_87 = arith.constant 0 : i32
    %dma_start3A_88 = arith.constant 0 : i32
    %dma_start3A_89 = tpu.memref_slice %arg3[%dma_start3A_87, %dma_start3A_88] : memref<100000x1024xf32, #tpu.memory_space<hbm>> -> memref<100000x1024xf32, #tpu.memory_space<hbm>>
    tpu.enqueue_indirect_dma source(%dma_start3A_89 : memref<100000x1024xf32, #tpu.memory_space<hbm>>) target(%arg12 : memref<16x1024xf32, #tpu.memory_space<vmem>>) offsets(%dma_start3A_86 : memref<16xi32, #tpu.memory_space<vmem>>) semaphore(%arg19 : memref<!tpu.dma_semaphore, #tpu.memory_space<semaphore_mem>>)
    %dma_wait3A_90 = arith.constant 32 : i32
    %dma_wait3A_91 = tpu.memref_slice %arg5[%dma_wait3A_90] : memref<256xi32, #tpu.memory_space<vmem>> -> memref<16xi32, #tpu.memory_space<vmem>>
    %dma_wait3A_92 = arith.constant 0 : i32
    %dma_wait3A_93 = arith.constant 0 : i32
    %dma_wait3A_94 = tpu.memref_slice %arg3[%dma_wait3A_92, %dma_wait3A_93] : memref<100000x1024xf32, #tpu.memory_space<hbm>> -> memref<100000x1024xf32, #tpu.memory_space<hbm>>
    tpu.wait_indirect_dma semaphore(%arg15 : memref<!tpu.dma_semaphore, #tpu.memory_space<semaphore_mem>>) src(%dma_wait3A_94 : memref<100000x1024xf32, #tpu.memory_space<hbm>>) dst(%arg8 : memref<16x1024xf32, #tpu.memory_space<vmem>>)
    %add3A_95 = arith.constant 32 : i32
    %add3A_96 = arith.addi %mul3A_2, %add3A_95 : i32
    %dma_start3A_97 = arith.constant 0 : i32
    %dma_start3A_98 = tpu.memref_slice %arg4[%add3A_96, %dma_start3A_97] : memref<8192x1024xf32, #tpu.memory_space<hbm>> -> memref<16x1024xf32, #tpu.memory_space<hbm>>
    %dma_start3A_99 = arith.constant 0 : i32
    %dma_start3A_100 = tpu.memref_slice %arg4[%add3A_96, %dma_start3A_99] : memref<8192x1024xf32, #tpu.memory_space<hbm>> -> memref<16x1024xf32, #tpu.memory_space<hbm>>
    tpu.enqueue_dma source(%arg8 : memref<16x1024xf32, #tpu.memory_space<vmem>>) target(%dma_start3A_100 : memref<16x1024xf32, #tpu.memory_space<hbm>>) target_semaphore(%arg22 : memref<!tpu.dma_semaphore, #tpu.memory_space<semaphore_mem>>)
    %add3A_101 = arith.constant 0 : i32
    %add3A_102 = arith.addi %mul3A_2, %add3A_101 : i32
    %dma_wait3A_103 = arith.constant 0 : i32
    %dma_wait3A_104 = tpu.memref_slice %arg4[%add3A_102, %dma_wait3A_103] : memref<8192x1024xf32, #tpu.memory_space<hbm>> -> memref<16x1024xf32, #tpu.memory_space<hbm>>
    %dma_wait3A_105 = arith.constant 0 : i32
    %dma_wait3A_106 = tpu.memref_slice %arg4[%add3A_102, %dma_wait3A_105] : memref<8192x1024xf32, #tpu.memory_space<hbm>> -> memref<16x1024xf32, #tpu.memory_space<hbm>>
    tpu.wait_dma2 semaphore(%arg20 : memref<!tpu.dma_semaphore, #tpu.memory_space<semaphore_mem>>) src(%arg6 : memref<16x1024xf32, #tpu.memory_space<vmem>>) dst(%dma_wait3A_106 : memref<16x1024xf32, #tpu.memory_space<hbm>>)
    %dma_start3A_107 = arith.constant 112 : i32
    %dma_start3A_108 = tpu.memref_slice %arg5[%dma_start3A_107] : memref<256xi32, #tpu.memory_space<vmem>> -> memref<16xi32, #tpu.memory_space<vmem>>
    %dma_start3A_109 = arith.constant 0 : i32
    %dma_start3A_110 = arith.constant 0 : i32
    %dma_start3A_111 = tpu.memref_slice %arg3[%dma_start3A_109, %dma_start3A_110] : memref<100000x1024xf32, #tpu.memory_space<hbm>> -> memref<100000x1024xf32, #tpu.memory_space<hbm>>
    tpu.enqueue_indirect_dma source(%dma_start3A_111 : memref<100000x1024xf32, #tpu.memory_space<hbm>>) target(%arg6 : memref<16x1024xf32, #tpu.memory_space<vmem>>) offsets(%dma_start3A_108 : memref<16xi32, #tpu.memory_space<vmem>>) semaphore(%arg13 : memref<!tpu.dma_semaphore, #tpu.memory_space<semaphore_mem>>)
    %dma_wait3A_112 = arith.constant 48 : i32
    %dma_wait3A_113 = tpu.memref_slice %arg5[%dma_wait3A_112] : memref<256xi32, #tpu.memory_space<vmem>> -> memref<16xi32, #tpu.memory_space<vmem>>
    %dma_wait3A_114 = arith.constant 0 : i32
    %dma_wait3A_115 = arith.constant 0 : i32
    %dma_wait3A_116 = tpu.memref_slice %arg3[%dma_wait3A_114, %dma_wait3A_115] : memref<100000x1024xf32, #tpu.memory_space<hbm>> -> memref<100000x1024xf32, #tpu.memory_space<hbm>>
    tpu.wait_indirect_dma semaphore(%arg16 : memref<!tpu.dma_semaphore, #tpu.memory_space<semaphore_mem>>) src(%dma_wait3A_116 : memref<100000x1024xf32, #tpu.memory_space<hbm>>) dst(%arg9 : memref<16x1024xf32, #tpu.memory_space<vmem>>)
    %add3A_117 = arith.constant 48 : i32
    %add3A_118 = arith.addi %mul3A_2, %add3A_117 : i32
    %dma_start3A_119 = arith.constant 0 : i32
    %dma_start3A_120 = tpu.memref_slice %arg4[%add3A_118, %dma_start3A_119] : memref<8192x1024xf32, #tpu.memory_space<hbm>> -> memref<16x1024xf32, #tpu.memory_space<hbm>>
    %dma_start3A_121 = arith.constant 0 : i32
    %dma_start3A_122 = tpu.memref_slice %arg4[%add3A_118, %dma_start3A_121] : memref<8192x1024xf32, #tpu.memory_space<hbm>> -> memref<16x1024xf32, #tpu.memory_space<hbm>>
    tpu.enqueue_dma source(%arg9 : memref<16x1024xf32, #tpu.memory_space<vmem>>) target(%dma_start3A_122 : memref<16x1024xf32, #tpu.memory_space<hbm>>) target_semaphore(%arg23 : memref<!tpu.dma_semaphore, #tpu.memory_space<semaphore_mem>>)
    %add3A_123 = arith.constant 16 : i32
    %add3A_124 = arith.addi %mul3A_2, %add3A_123 : i32
    %dma_wait3A_125 = arith.constant 0 : i32
    %dma_wait3A_126 = tpu.memref_slice %arg4[%add3A_124, %dma_wait3A_125] : memref<8192x1024xf32, #tpu.memory_space<hbm>> -> memref<16x1024xf32, #tpu.memory_space<hbm>>
    %dma_wait3A_127 = arith.constant 0 : i32
    %dma_wait3A_128 = tpu.memref_slice %arg4[%add3A_124, %dma_wait3A_127] : memref<8192x1024xf32, #tpu.memory_space<hbm>> -> memref<16x1024xf32, #tpu.memory_space<hbm>>
    tpu.wait_dma2 semaphore(%arg21 : memref<!tpu.dma_semaphore, #tpu.memory_space<semaphore_mem>>) src(%arg7 : memref<16x1024xf32, #tpu.memory_space<vmem>>) dst(%dma_wait3A_128 : memref<16x1024xf32, #tpu.memory_space<hbm>>)
    %dma_start3A_129 = arith.constant 128 : i32
    %dma_start3A_130 = tpu.memref_slice %arg5[%dma_start3A_129] : memref<256xi32, #tpu.memory_space<vmem>> -> memref<16xi32, #tpu.memory_space<vmem>>
    %dma_start3A_131 = arith.constant 0 : i32
    %dma_start3A_132 = arith.constant 0 : i32
    %dma_start3A_133 = tpu.memref_slice %arg3[%dma_start3A_131, %dma_start3A_132] : memref<100000x1024xf32, #tpu.memory_space<hbm>> -> memref<100000x1024xf32, #tpu.memory_space<hbm>>
    tpu.enqueue_indirect_dma source(%dma_start3A_133 : memref<100000x1024xf32, #tpu.memory_space<hbm>>) target(%arg7 : memref<16x1024xf32, #tpu.memory_space<vmem>>) offsets(%dma_start3A_130 : memref<16xi32, #tpu.memory_space<vmem>>) semaphore(%arg14 : memref<!tpu.dma_semaphore, #tpu.memory_space<semaphore_mem>>)
    %dma_wait3A_134 = arith.constant 64 : i32
    %dma_wait3A_135 = tpu.memref_slice %arg5[%dma_wait3A_134] : memref<256xi32, #tpu.memory_space<vmem>> -> memref<16xi32, #tpu.memory_space<vmem>>
    %dma_wait3A_136 = arith.constant 0 : i32
    %dma_wait3A_137 = arith.constant 0 : i32
    %dma_wait3A_138 = tpu.memref_slice %arg3[%dma_wait3A_136, %dma_wait3A_137] : memref<100000x1024xf32, #tpu.memory_space<hbm>> -> memref<100000x1024xf32, #tpu.memory_space<hbm>>
    tpu.wait_indirect_dma semaphore(%arg17 : memref<!tpu.dma_semaphore, #tpu.memory_space<semaphore_mem>>) src(%dma_wait3A_138 : memref<100000x1024xf32, #tpu.memory_space<hbm>>) dst(%arg10 : memref<16x1024xf32, #tpu.memory_space<vmem>>)
    %add3A_139 = arith.constant 64 : i32
    %add3A_140 = arith.addi %mul3A_2, %add3A_139 : i32
    %dma_start3A_141 = arith.constant 0 : i32
    %dma_start3A_142 = tpu.memref_slice %arg4[%add3A_140, %dma_start3A_141] : memref<8192x1024xf32, #tpu.memory_space<hbm>> -> memref<16x1024xf32, #tpu.memory_space<hbm>>
    %dma_start3A_143 = arith.constant 0 : i32
    %dma_start3A_144 = tpu.memref_slice %arg4[%add3A_140, %dma_start3A_143] : memref<8192x1024xf32, #tpu.memory_space<hbm>> -> memref<16x1024xf32, #tpu.memory_space<hbm>>
    tpu.enqueue_dma source(%arg10 : memref<16x1024xf32, #tpu.memory_space<vmem>>) target(%dma_start3A_144 : memref<16x1024xf32, #tpu.memory_space<hbm>>) target_semaphore(%arg24 : memref<!tpu.dma_semaphore, #tpu.memory_space<semaphore_mem>>)
    %add3A_145 = arith.constant 32 : i32
    %add3A_146 = arith.addi %mul3A_2, %add3A_145 : i32
    %dma_wait3A_147 = arith.constant 0 : i32
    %dma_wait3A_148 = tpu.memref_slice %arg4[%add3A_146, %dma_wait3A_147] : memref<8192x1024xf32, #tpu.memory_space<hbm>> -> memref<16x1024xf32, #tpu.memory_space<hbm>>
    %dma_wait3A_149 = arith.constant 0 : i32
    %dma_wait3A_150 = tpu.memref_slice %arg4[%add3A_146, %dma_wait3A_149] : memref<8192x1024xf32, #tpu.memory_space<hbm>> -> memref<16x1024xf32, #tpu.memory_space<hbm>>
    tpu.wait_dma2 semaphore(%arg22 : memref<!tpu.dma_semaphore, #tpu.memory_space<semaphore_mem>>) src(%arg8 : memref<16x1024xf32, #tpu.memory_space<vmem>>) dst(%dma_wait3A_150 : memref<16x1024xf32, #tpu.memory_space<hbm>>)
    %dma_start3A_151 = arith.constant 144 : i32
    %dma_start3A_152 = tpu.memref_slice %arg5[%dma_start3A_151] : memref<256xi32, #tpu.memory_space<vmem>> -> memref<16xi32, #tpu.memory_space<vmem>>
    %dma_start3A_153 = arith.constant 0 : i32
    %dma_start3A_154 = arith.constant 0 : i32
    %dma_start3A_155 = tpu.memref_slice %arg3[%dma_start3A_153, %dma_start3A_154] : memref<100000x1024xf32, #tpu.memory_space<hbm>> -> memref<100000x1024xf32, #tpu.memory_space<hbm>>
    tpu.enqueue_indirect_dma source(%dma_start3A_155 : memref<100000x1024xf32, #tpu.memory_space<hbm>>) target(%arg8 : memref<16x1024xf32, #tpu.memory_space<vmem>>) offsets(%dma_start3A_152 : memref<16xi32, #tpu.memory_space<vmem>>) semaphore(%arg15 : memref<!tpu.dma_semaphore, #tpu.memory_space<semaphore_mem>>)
    %dma_wait3A_156 = arith.constant 80 : i32
    %dma_wait3A_157 = tpu.memref_slice %arg5[%dma_wait3A_156] : memref<256xi32, #tpu.memory_space<vmem>> -> memref<16xi32, #tpu.memory_space<vmem>>
    %dma_wait3A_158 = arith.constant 0 : i32
    %dma_wait3A_159 = arith.constant 0 : i32
    %dma_wait3A_160 = tpu.memref_slice %arg3[%dma_wait3A_158, %dma_wait3A_159] : memref<100000x1024xf32, #tpu.memory_space<hbm>> -> memref<100000x1024xf32, #tpu.memory_space<hbm>>
    tpu.wait_indirect_dma semaphore(%arg18 : memref<!tpu.dma_semaphore, #tpu.memory_space<semaphore_mem>>) src(%dma_wait3A_160 : memref<100000x1024xf32, #tpu.memory_space<hbm>>) dst(%arg11 : memref<16x1024xf32, #tpu.memory_space<vmem>>)
    %add3A_161 = arith.constant 80 : i32
    %add3A_162 = arith.addi %mul3A_2, %add3A_161 : i32
    %dma_start3A_163 = arith.constant 0 : i32
    %dma_start3A_164 = tpu.memref_slice %arg4[%add3A_162, %dma_start3A_163] : memref<8192x1024xf32, #tpu.memory_space<hbm>> -> memref<16x1024xf32, #tpu.memory_space<hbm>>
    %dma_start3A_165 = arith.constant 0 : i32
    %dma_start3A_166 = tpu.memref_slice %arg4[%add3A_162, %dma_start3A_165] : memref<8192x1024xf32, #tpu.memory_space<hbm>> -> memref<16x1024xf32, #tpu.memory_space<hbm>>
    tpu.enqueue_dma source(%arg11 : memref<16x1024xf32, #tpu.memory_space<vmem>>) target(%dma_start3A_166 : memref<16x1024xf32, #tpu.memory_space<hbm>>) target_semaphore(%arg25 : memref<!tpu.dma_semaphore, #tpu.memory_space<semaphore_mem>>)
    %add3A_167 = arith.constant 48 : i32
    %add3A_168 = arith.addi %mul3A_2, %add3A_167 : i32
    %dma_wait3A_169 = arith.constant 0 : i32
    %dma_wait3A_170 = tpu.memref_slice %arg4[%add3A_168, %dma_wait3A_169] : memref<8192x1024xf32, #tpu.memory_space<hbm>> -> memref<16x1024xf32, #tpu.memory_space<hbm>>
    %dma_wait3A_171 = arith.constant 0 : i32
    %dma_wait3A_172 = tpu.memref_slice %arg4[%add3A_168, %dma_wait3A_171] : memref<8192x1024xf32, #tpu.memory_space<hbm>> -> memref<16x1024xf32, #tpu.memory_space<hbm>>
    tpu.wait_dma2 semaphore(%arg23 : memref<!tpu.dma_semaphore, #tpu.memory_space<semaphore_mem>>) src(%arg9 : memref<16x1024xf32, #tpu.memory_space<vmem>>) dst(%dma_wait3A_172 : memref<16x1024xf32, #tpu.memory_space<hbm>>)
    %dma_start3A_173 = arith.constant 160 : i32
    %dma_start3A_174 = tpu.memref_slice %arg5[%dma_start3A_173] : memref<256xi32, #tpu.memory_space<vmem>> -> memref<16xi32, #tpu.memory_space<vmem>>
    %dma_start3A_175 = arith.constant 0 : i32
    %dma_start3A_176 = arith.constant 0 : i32
    %dma_start3A_177 = tpu.memref_slice %arg3[%dma_start3A_175, %dma_start3A_176] : memref<100000x1024xf32, #tpu.memory_space<hbm>> -> memref<100000x1024xf32, #tpu.memory_space<hbm>>
    tpu.enqueue_indirect_dma source(%dma_start3A_177 : memref<100000x1024xf32, #tpu.memory_space<hbm>>) target(%arg9 : memref<16x1024xf32, #tpu.memory_space<vmem>>) offsets(%dma_start3A_174 : memref<16xi32, #tpu.memory_space<vmem>>) semaphore(%arg16 : memref<!tpu.dma_semaphore, #tpu.memory_space<semaphore_mem>>)
    %dma_wait3A_178 = arith.constant 96 : i32
    %dma_wait3A_179 = tpu.memref_slice %arg5[%dma_wait3A_178] : memref<256xi32, #tpu.memory_space<vmem>> -> memref<16xi32, #tpu.memory_space<vmem>>
    %dma_wait3A_180 = arith.constant 0 : i32
    %dma_wait3A_181 = arith.constant 0 : i32
    %dma_wait3A_182 = tpu.memref_slice %arg3[%dma_wait3A_180, %dma_wait3A_181] : memref<100000x1024xf32, #tpu.memory_space<hbm>> -> memref<100000x1024xf32, #tpu.memory_space<hbm>>
    tpu.wait_indirect_dma semaphore(%arg19 : memref<!tpu.dma_semaphore, #tpu.memory_space<semaphore_mem>>) src(%dma_wait3A_182 : memref<100000x1024xf32, #tpu.memory_space<hbm>>) dst(%arg12 : memref<16x1024xf32, #tpu.memory_space<vmem>>)
    %add3A_183 = arith.constant 96 : i32
    %add3A_184 = arith.addi %mul3A_2, %add3A_183 : i32
    %dma_start3A_185 = arith.constant 0 : i32
    %dma_start3A_186 = tpu.memref_slice %arg4[%add3A_184, %dma_start3A_185] : memref<8192x1024xf32, #tpu.memory_space<hbm>> -> memref<16x1024xf32, #tpu.memory_space<hbm>>
    %dma_start3A_187 = arith.constant 0 : i32
    %dma_start3A_188 = tpu.memref_slice %arg4[%add3A_184, %dma_start3A_187] : memref<8192x1024xf32, #tpu.memory_space<hbm>> -> memref<16x1024xf32, #tpu.memory_space<hbm>>
    tpu.enqueue_dma source(%arg12 : memref<16x1024xf32, #tpu.memory_space<vmem>>) target(%dma_start3A_188 : memref<16x1024xf32, #tpu.memory_space<hbm>>) target_semaphore(%arg26 : memref<!tpu.dma_semaphore, #tpu.memory_space<semaphore_mem>>)
    %add3A_189 = arith.constant 64 : i32
    %add3A_190 = arith.addi %mul3A_2, %add3A_189 : i32
    %dma_wait3A_191 = arith.constant 0 : i32
    %dma_wait3A_192 = tpu.memref_slice %arg4[%add3A_190, %dma_wait3A_191] : memref<8192x1024xf32, #tpu.memory_space<hbm>> -> memref<16x1024xf32, #tpu.memory_space<hbm>>
    %dma_wait3A_193 = arith.constant 0 : i32
    %dma_wait3A_194 = tpu.memref_slice %arg4[%add3A_190, %dma_wait3A_193] : memref<8192x1024xf32, #tpu.memory_space<hbm>> -> memref<16x1024xf32, #tpu.memory_space<hbm>>
    tpu.wait_dma2 semaphore(%arg24 : memref<!tpu.dma_semaphore, #tpu.memory_space<semaphore_mem>>) src(%arg10 : memref<16x1024xf32, #tpu.memory_space<vmem>>) dst(%dma_wait3A_194 : memref<16x1024xf32, #tpu.memory_space<hbm>>)
    %dma_start3A_195 = arith.constant 176 : i32
    %dma_start3A_196 = tpu.memref_slice %arg5[%dma_start3A_195] : memref<256xi32, #tpu.memory_space<vmem>> -> memref<16xi32, #tpu.memory_space<vmem>>
    %dma_start3A_197 = arith.constant 0 : i32
    %dma_start3A_198 = arith.constant 0 : i32
    %dma_start3A_199 = tpu.memref_slice %arg3[%dma_start3A_197, %dma_start3A_198] : memref<100000x1024xf32, #tpu.memory_space<hbm>> -> memref<100000x1024xf32, #tpu.memory_space<hbm>>
    tpu.enqueue_indirect_dma source(%dma_start3A_199 : memref<100000x1024xf32, #tpu.memory_space<hbm>>) target(%arg10 : memref<16x1024xf32, #tpu.memory_space<vmem>>) offsets(%dma_start3A_196 : memref<16xi32, #tpu.memory_space<vmem>>) semaphore(%arg17 : memref<!tpu.dma_semaphore, #tpu.memory_space<semaphore_mem>>)
    %dma_wait3A_200 = arith.constant 112 : i32
    %dma_wait3A_201 = tpu.memref_slice %arg5[%dma_wait3A_200] : memref<256xi32, #tpu.memory_space<vmem>> -> memref<16xi32, #tpu.memory_space<vmem>>
    %dma_wait3A_202 = arith.constant 0 : i32
    %dma_wait3A_203 = arith.constant 0 : i32
    %dma_wait3A_204 = tpu.memref_slice %arg3[%dma_wait3A_202, %dma_wait3A_203] : memref<100000x1024xf32, #tpu.memory_space<hbm>> -> memref<100000x1024xf32, #tpu.memory_space<hbm>>
    tpu.wait_indirect_dma semaphore(%arg13 : memref<!tpu.dma_semaphore, #tpu.memory_space<semaphore_mem>>) src(%dma_wait3A_204 : memref<100000x1024xf32, #tpu.memory_space<hbm>>) dst(%arg6 : memref<16x1024xf32, #tpu.memory_space<vmem>>)
    %add3A_205 = arith.constant 112 : i32
    %add3A_206 = arith.addi %mul3A_2, %add3A_205 : i32
    %dma_start3A_207 = arith.constant 0 : i32
    %dma_start3A_208 = tpu.memref_slice %arg4[%add3A_206, %dma_start3A_207] : memref<8192x1024xf32, #tpu.memory_space<hbm>> -> memref<16x1024xf32, #tpu.memory_space<hbm>>
    %dma_start3A_209 = arith.constant 0 : i32
    %dma_start3A_210 = tpu.memref_slice %arg4[%add3A_206, %dma_start3A_209] : memref<8192x1024xf32, #tpu.memory_space<hbm>> -> memref<16x1024xf32, #tpu.memory_space<hbm>>
    tpu.enqueue_dma source(%arg6 : memref<16x1024xf32, #tpu.memory_space<vmem>>) target(%dma_start3A_210 : memref<16x1024xf32, #tpu.memory_space<hbm>>) target_semaphore(%arg20 : memref<!tpu.dma_semaphore, #tpu.memory_space<semaphore_mem>>)
    %add3A_211 = arith.constant 80 : i32
    %add3A_212 = arith.addi %mul3A_2, %add3A_211 : i32
    %dma_wait3A_213 = arith.constant 0 : i32
    %dma_wait3A_214 = tpu.memref_slice %arg4[%add3A_212, %dma_wait3A_213] : memref<8192x1024xf32, #tpu.memory_space<hbm>> -> memref<16x1024xf32, #tpu.memory_space<hbm>>
    %dma_wait3A_215 = arith.constant 0 : i32
    %dma_wait3A_216 = tpu.memref_slice %arg4[%add3A_212, %dma_wait3A_215] : memref<8192x1024xf32, #tpu.memory_space<hbm>> -> memref<16x1024xf32, #tpu.memory_space<hbm>>
    tpu.wait_dma2 semaphore(%arg25 : memref<!tpu.dma_semaphore, #tpu.memory_space<semaphore_mem>>) src(%arg11 : memref<16x1024xf32, #tpu.memory_space<vmem>>) dst(%dma_wait3A_216 : memref<16x1024xf32, #tpu.memory_space<hbm>>)
    %dma_start3A_217 = arith.constant 192 : i32
    %dma_start3A_218 = tpu.memref_slice %arg5[%dma_start3A_217] : memref<256xi32, #tpu.memory_space<vmem>> -> memref<16xi32, #tpu.memory_space<vmem>>
    %dma_start3A_219 = arith.constant 0 : i32
    %dma_start3A_220 = arith.constant 0 : i32
    %dma_start3A_221 = tpu.memref_slice %arg3[%dma_start3A_219, %dma_start3A_220] : memref<100000x1024xf32, #tpu.memory_space<hbm>> -> memref<100000x1024xf32, #tpu.memory_space<hbm>>
    tpu.enqueue_indirect_dma source(%dma_start3A_221 : memref<100000x1024xf32, #tpu.memory_space<hbm>>) target(%arg11 : memref<16x1024xf32, #tpu.memory_space<vmem>>) offsets(%dma_start3A_218 : memref<16xi32, #tpu.memory_space<vmem>>) semaphore(%arg18 : memref<!tpu.dma_semaphore, #tpu.memory_space<semaphore_mem>>)
    %dma_wait3A_222 = arith.constant 128 : i32
    %dma_wait3A_223 = tpu.memref_slice %arg5[%dma_wait3A_222] : memref<256xi32, #tpu.memory_space<vmem>> -> memref<16xi32, #tpu.memory_space<vmem>>
    %dma_wait3A_224 = arith.constant 0 : i32
    %dma_wait3A_225 = arith.constant 0 : i32
    %dma_wait3A_226 = tpu.memref_slice %arg3[%dma_wait3A_224, %dma_wait3A_225] : memref<100000x1024xf32, #tpu.memory_space<hbm>> -> memref<100000x1024xf32, #tpu.memory_space<hbm>>
    tpu.wait_indirect_dma semaphore(%arg14 : memref<!tpu.dma_semaphore, #tpu.memory_space<semaphore_mem>>) src(%dma_wait3A_226 : memref<100000x1024xf32, #tpu.memory_space<hbm>>) dst(%arg7 : memref<16x1024xf32, #tpu.memory_space<vmem>>)
    %add3A_227 = arith.constant 128 : i32
    %add3A_228 = arith.addi %mul3A_2, %add3A_227 : i32
    %dma_start3A_229 = arith.constant 0 : i32
    %dma_start3A_230 = tpu.memref_slice %arg4[%add3A_228, %dma_start3A_229] : memref<8192x1024xf32, #tpu.memory_space<hbm>> -> memref<16x1024xf32, #tpu.memory_space<hbm>>
    %dma_start3A_231 = arith.constant 0 : i32
    %dma_start3A_232 = tpu.memref_slice %arg4[%add3A_228, %dma_start3A_231] : memref<8192x1024xf32, #tpu.memory_space<hbm>> -> memref<16x1024xf32, #tpu.memory_space<hbm>>
    tpu.enqueue_dma source(%arg7 : memref<16x1024xf32, #tpu.memory_space<vmem>>) target(%dma_start3A_232 : memref<16x1024xf32, #tpu.memory_space<hbm>>) target_semaphore(%arg21 : memref<!tpu.dma_semaphore, #tpu.memory_space<semaphore_mem>>)
    %add3A_233 = arith.constant 96 : i32
    %add3A_234 = arith.addi %mul3A_2, %add3A_233 : i32
    %dma_wait3A_235 = arith.constant 0 : i32
    %dma_wait3A_236 = tpu.memref_slice %arg4[%add3A_234, %dma_wait3A_235] : memref<8192x1024xf32, #tpu.memory_space<hbm>> -> memref<16x1024xf32, #tpu.memory_space<hbm>>
    %dma_wait3A_237 = arith.constant 0 : i32
    %dma_wait3A_238 = tpu.memref_slice %arg4[%add3A_234, %dma_wait3A_237] : memref<8192x1024xf32, #tpu.memory_space<hbm>> -> memref<16x1024xf32, #tpu.memory_space<hbm>>
    tpu.wait_dma2 semaphore(%arg26 : memref<!tpu.dma_semaphore, #tpu.memory_space<semaphore_mem>>) src(%arg12 : memref<16x1024xf32, #tpu.memory_space<vmem>>) dst(%dma_wait3A_238 : memref<16x1024xf32, #tpu.memory_space<hbm>>)
    %dma_start3A_239 = arith.constant 208 : i32
    %dma_start3A_240 = tpu.memref_slice %arg5[%dma_start3A_239] : memref<256xi32, #tpu.memory_space<vmem>> -> memref<16xi32, #tpu.memory_space<vmem>>
    %dma_start3A_241 = arith.constant 0 : i32
    %dma_start3A_242 = arith.constant 0 : i32
    %dma_start3A_243 = tpu.memref_slice %arg3[%dma_start3A_241, %dma_start3A_242] : memref<100000x1024xf32, #tpu.memory_space<hbm>> -> memref<100000x1024xf32, #tpu.memory_space<hbm>>
    tpu.enqueue_indirect_dma source(%dma_start3A_243 : memref<100000x1024xf32, #tpu.memory_space<hbm>>) target(%arg12 : memref<16x1024xf32, #tpu.memory_space<vmem>>) offsets(%dma_start3A_240 : memref<16xi32, #tpu.memory_space<vmem>>) semaphore(%arg19 : memref<!tpu.dma_semaphore, #tpu.memory_space<semaphore_mem>>)
    %dma_wait3A_244 = arith.constant 144 : i32
    %dma_wait3A_245 = tpu.memref_slice %arg5[%dma_wait3A_244] : memref<256xi32, #tpu.memory_space<vmem>> -> memref<16xi32, #tpu.memory_space<vmem>>
    %dma_wait3A_246 = arith.constant 0 : i32
    %dma_wait3A_247 = arith.constant 0 : i32
    %dma_wait3A_248 = tpu.memref_slice %arg3[%dma_wait3A_246, %dma_wait3A_247] : memref<100000x1024xf32, #tpu.memory_space<hbm>> -> memref<100000x1024xf32, #tpu.memory_space<hbm>>
    tpu.wait_indirect_dma semaphore(%arg15 : memref<!tpu.dma_semaphore, #tpu.memory_space<semaphore_mem>>) src(%dma_wait3A_248 : memref<100000x1024xf32, #tpu.memory_space<hbm>>) dst(%arg8 : memref<16x1024xf32, #tpu.memory_space<vmem>>)
    %add3A_249 = arith.constant 144 : i32
    %add3A_250 = arith.addi %mul3A_2, %add3A_249 : i32
    %dma_start3A_251 = arith.constant 0 : i32
    %dma_start3A_252 = tpu.memref_slice %arg4[%add3A_250, %dma_start3A_251] : memref<8192x1024xf32, #tpu.memory_space<hbm>> -> memref<16x1024xf32, #tpu.memory_space<hbm>>
    %dma_start3A_253 = arith.constant 0 : i32
    %dma_start3A_254 = tpu.memref_slice %arg4[%add3A_250, %dma_start3A_253] : memref<8192x1024xf32, #tpu.memory_space<hbm>> -> memref<16x1024xf32, #tpu.memory_space<hbm>>
    tpu.enqueue_dma source(%arg8 : memref<16x1024xf32, #tpu.memory_space<vmem>>) target(%dma_start3A_254 : memref<16x1024xf32, #tpu.memory_space<hbm>>) target_semaphore(%arg22 : memref<!tpu.dma_semaphore, #tpu.memory_space<semaphore_mem>>)
    %add3A_255 = arith.constant 112 : i32
    %add3A_256 = arith.addi %mul3A_2, %add3A_255 : i32
    %dma_wait3A_257 = arith.constant 0 : i32
    %dma_wait3A_258 = tpu.memref_slice %arg4[%add3A_256, %dma_wait3A_257] : memref<8192x1024xf32, #tpu.memory_space<hbm>> -> memref<16x1024xf32, #tpu.memory_space<hbm>>
    %dma_wait3A_259 = arith.constant 0 : i32
    %dma_wait3A_260 = tpu.memref_slice %arg4[%add3A_256, %dma_wait3A_259] : memref<8192x1024xf32, #tpu.memory_space<hbm>> -> memref<16x1024xf32, #tpu.memory_space<hbm>>
    tpu.wait_dma2 semaphore(%arg20 : memref<!tpu.dma_semaphore, #tpu.memory_space<semaphore_mem>>) src(%arg6 : memref<16x1024xf32, #tpu.memory_space<vmem>>) dst(%dma_wait3A_260 : memref<16x1024xf32, #tpu.memory_space<hbm>>)
    %dma_start3A_261 = arith.constant 224 : i32
    %dma_start3A_262 = tpu.memref_slice %arg5[%dma_start3A_261] : memref<256xi32, #tpu.memory_space<vmem>> -> memref<16xi32, #tpu.memory_space<vmem>>
    %dma_start3A_263 = arith.constant 0 : i32
    %dma_start3A_264 = arith.constant 0 : i32
    %dma_start3A_265 = tpu.memref_slice %arg3[%dma_start3A_263, %dma_start3A_264] : memref<100000x1024xf32, #tpu.memory_space<hbm>> -> memref<100000x1024xf32, #tpu.memory_space<hbm>>
    tpu.enqueue_indirect_dma source(%dma_start3A_265 : memref<100000x1024xf32, #tpu.memory_space<hbm>>) target(%arg6 : memref<16x1024xf32, #tpu.memory_space<vmem>>) offsets(%dma_start3A_262 : memref<16xi32, #tpu.memory_space<vmem>>) semaphore(%arg13 : memref<!tpu.dma_semaphore, #tpu.memory_space<semaphore_mem>>)
    %dma_wait3A_266 = arith.constant 160 : i32
    %dma_wait3A_267 = tpu.memref_slice %arg5[%dma_wait3A_266] : memref<256xi32, #tpu.memory_space<vmem>> -> memref<16xi32, #tpu.memory_space<vmem>>
    %dma_wait3A_268 = arith.constant 0 : i32
    %dma_wait3A_269 = arith.constant 0 : i32
    %dma_wait3A_270 = tpu.memref_slice %arg3[%dma_wait3A_268, %dma_wait3A_269] : memref<100000x1024xf32, #tpu.memory_space<hbm>> -> memref<100000x1024xf32, #tpu.memory_space<hbm>>
    tpu.wait_indirect_dma semaphore(%arg16 : memref<!tpu.dma_semaphore, #tpu.memory_space<semaphore_mem>>) src(%dma_wait3A_270 : memref<100000x1024xf32, #tpu.memory_space<hbm>>) dst(%arg9 : memref<16x1024xf32, #tpu.memory_space<vmem>>)
    %add3A_271 = arith.constant 160 : i32
    %add3A_272 = arith.addi %mul3A_2, %add3A_271 : i32
    %dma_start3A_273 = arith.constant 0 : i32
    %dma_start3A_274 = tpu.memref_slice %arg4[%add3A_272, %dma_start3A_273] : memref<8192x1024xf32, #tpu.memory_space<hbm>> -> memref<16x1024xf32, #tpu.memory_space<hbm>>
    %dma_start3A_275 = arith.constant 0 : i32
    %dma_start3A_276 = tpu.memref_slice %arg4[%add3A_272, %dma_start3A_275] : memref<8192x1024xf32, #tpu.memory_space<hbm>> -> memref<16x1024xf32, #tpu.memory_space<hbm>>
    tpu.enqueue_dma source(%arg9 : memref<16x1024xf32, #tpu.memory_space<vmem>>) target(%dma_start3A_276 : memref<16x1024xf32, #tpu.memory_space<hbm>>) target_semaphore(%arg23 : memref<!tpu.dma_semaphore, #tpu.memory_space<semaphore_mem>>)
    %add3A_277 = arith.constant 128 : i32
    %add3A_278 = arith.addi %mul3A_2, %add3A_277 : i32
    %dma_wait3A_279 = arith.constant 0 : i32
    %dma_wait3A_280 = tpu.memref_slice %arg4[%add3A_278, %dma_wait3A_279] : memref<8192x1024xf32, #tpu.memory_space<hbm>> -> memref<16x1024xf32, #tpu.memory_space<hbm>>
    %dma_wait3A_281 = arith.constant 0 : i32
    %dma_wait3A_282 = tpu.memref_slice %arg4[%add3A_278, %dma_wait3A_281] : memref<8192x1024xf32, #tpu.memory_space<hbm>> -> memref<16x1024xf32, #tpu.memory_space<hbm>>
    tpu.wait_dma2 semaphore(%arg21 : memref<!tpu.dma_semaphore, #tpu.memory_space<semaphore_mem>>) src(%arg7 : memref<16x1024xf32, #tpu.memory_space<vmem>>) dst(%dma_wait3A_282 : memref<16x1024xf32, #tpu.memory_space<hbm>>)
    %dma_start3A_283 = arith.constant 240 : i32
    %dma_start3A_284 = tpu.memref_slice %arg5[%dma_start3A_283] : memref<256xi32, #tpu.memory_space<vmem>> -> memref<16xi32, #tpu.memory_space<vmem>>
    %dma_start3A_285 = arith.constant 0 : i32
    %dma_start3A_286 = arith.constant 0 : i32
    %dma_start3A_287 = tpu.memref_slice %arg3[%dma_start3A_285, %dma_start3A_286] : memref<100000x1024xf32, #tpu.memory_space<hbm>> -> memref<100000x1024xf32, #tpu.memory_space<hbm>>
    tpu.enqueue_indirect_dma source(%dma_start3A_287 : memref<100000x1024xf32, #tpu.memory_space<hbm>>) target(%arg7 : memref<16x1024xf32, #tpu.memory_space<vmem>>) offsets(%dma_start3A_284 : memref<16xi32, #tpu.memory_space<vmem>>) semaphore(%arg14 : memref<!tpu.dma_semaphore, #tpu.memory_space<semaphore_mem>>)
    %dma_wait3A_288 = arith.constant 176 : i32
    %dma_wait3A_289 = tpu.memref_slice %arg5[%dma_wait3A_288] : memref<256xi32, #tpu.memory_space<vmem>> -> memref<16xi32, #tpu.memory_space<vmem>>
    %dma_wait3A_290 = arith.constant 0 : i32
    %dma_wait3A_291 = arith.constant 0 : i32
    %dma_wait3A_292 = tpu.memref_slice %arg3[%dma_wait3A_290, %dma_wait3A_291] : memref<100000x1024xf32, #tpu.memory_space<hbm>> -> memref<100000x1024xf32, #tpu.memory_space<hbm>>
    tpu.wait_indirect_dma semaphore(%arg17 : memref<!tpu.dma_semaphore, #tpu.memory_space<semaphore_mem>>) src(%dma_wait3A_292 : memref<100000x1024xf32, #tpu.memory_space<hbm>>) dst(%arg10 : memref<16x1024xf32, #tpu.memory_space<vmem>>)
    %add3A_293 = arith.constant 176 : i32
    %add3A_294 = arith.addi %mul3A_2, %add3A_293 : i32
    %dma_start3A_295 = arith.constant 0 : i32
    %dma_start3A_296 = tpu.memref_slice %arg4[%add3A_294, %dma_start3A_295] : memref<8192x1024xf32, #tpu.memory_space<hbm>> -> memref<16x1024xf32, #tpu.memory_space<hbm>>
    %dma_start3A_297 = arith.constant 0 : i32
    %dma_start3A_298 = tpu.memref_slice %arg4[%add3A_294, %dma_start3A_297] : memref<8192x1024xf32, #tpu.memory_space<hbm>> -> memref<16x1024xf32, #tpu.memory_space<hbm>>
    tpu.enqueue_dma source(%arg10 : memref<16x1024xf32, #tpu.memory_space<vmem>>) target(%dma_start3A_298 : memref<16x1024xf32, #tpu.memory_space<hbm>>) target_semaphore(%arg24 : memref<!tpu.dma_semaphore, #tpu.memory_space<semaphore_mem>>)
    %dma_wait3A_299 = arith.constant 192 : i32
    %dma_wait3A_300 = tpu.memref_slice %arg5[%dma_wait3A_299] : memref<256xi32, #tpu.memory_space<vmem>> -> memref<16xi32, #tpu.memory_space<vmem>>
    %dma_wait3A_301 = arith.constant 0 : i32
    %dma_wait3A_302 = arith.constant 0 : i32
    %dma_wait3A_303 = tpu.memref_slice %arg3[%dma_wait3A_301, %dma_wait3A_302] : memref<100000x1024xf32, #tpu.memory_space<hbm>> -> memref<100000x1024xf32, #tpu.memory_space<hbm>>
    tpu.wait_indirect_dma semaphore(%arg18 : memref<!tpu.dma_semaphore, #tpu.memory_space<semaphore_mem>>) src(%dma_wait3A_303 : memref<100000x1024xf32, #tpu.memory_space<hbm>>) dst(%arg11 : memref<16x1024xf32, #tpu.memory_space<vmem>>)
    %add3A_304 = arith.constant 192 : i32
    %add3A_305 = arith.addi %mul3A_2, %add3A_304 : i32
    %dma_start3A_306 = arith.constant 0 : i32
    %dma_start3A_307 = tpu.memref_slice %arg4[%add3A_305, %dma_start3A_306] : memref<8192x1024xf32, #tpu.memory_space<hbm>> -> memref<16x1024xf32, #tpu.memory_space<hbm>>
    %dma_start3A_308 = arith.constant 0 : i32
    %dma_start3A_309 = tpu.memref_slice %arg4[%add3A_305, %dma_start3A_308] : memref<8192x1024xf32, #tpu.memory_space<hbm>> -> memref<16x1024xf32, #tpu.memory_space<hbm>>
    tpu.enqueue_dma source(%arg11 : memref<16x1024xf32, #tpu.memory_space<vmem>>) target(%dma_start3A_309 : memref<16x1024xf32, #tpu.memory_space<hbm>>) target_semaphore(%arg25 : memref<!tpu.dma_semaphore, #tpu.memory_space<semaphore_mem>>)
    %dma_wait3A_310 = arith.constant 208 : i32
    %dma_wait3A_311 = tpu.memref_slice %arg5[%dma_wait3A_310] : memref<256xi32, #tpu.memory_space<vmem>> -> memref<16xi32, #tpu.memory_space<vmem>>
    %dma_wait3A_312 = arith.constant 0 : i32
    %dma_wait3A_313 = arith.constant 0 : i32
    %dma_wait3A_314 = tpu.memref_slice %arg3[%dma_wait3A_312, %dma_wait3A_313] : memref<100000x1024xf32, #tpu.memory_space<hbm>> -> memref<100000x1024xf32, #tpu.memory_space<hbm>>
    tpu.wait_indirect_dma semaphore(%arg19 : memref<!tpu.dma_semaphore, #tpu.memory_space<semaphore_mem>>) src(%dma_wait3A_314 : memref<100000x1024xf32, #tpu.memory_space<hbm>>) dst(%arg12 : memref<16x1024xf32, #tpu.memory_space<vmem>>)
    %add3A_315 = arith.constant 208 : i32
    %add3A_316 = arith.addi %mul3A_2, %add3A_315 : i32
    %dma_start3A_317 = arith.constant 0 : i32
    %dma_start3A_318 = tpu.memref_slice %arg4[%add3A_316, %dma_start3A_317] : memref<8192x1024xf32, #tpu.memory_space<hbm>> -> memref<16x1024xf32, #tpu.memory_space<hbm>>
    %dma_start3A_319 = arith.constant 0 : i32
    %dma_start3A_320 = tpu.memref_slice %arg4[%add3A_316, %dma_start3A_319] : memref<8192x1024xf32, #tpu.memory_space<hbm>> -> memref<16x1024xf32, #tpu.memory_space<hbm>>
    tpu.enqueue_dma source(%arg12 : memref<16x1024xf32, #tpu.memory_space<vmem>>) target(%dma_start3A_320 : memref<16x1024xf32, #tpu.memory_space<hbm>>) target_semaphore(%arg26 : memref<!tpu.dma_semaphore, #tpu.memory_space<semaphore_mem>>)
    %dma_wait3A_321 = arith.constant 224 : i32
    %dma_wait3A_322 = tpu.memref_slice %arg5[%dma_wait3A_321] : memref<256xi32, #tpu.memory_space<vmem>> -> memref<16xi32, #tpu.memory_space<vmem>>
    %dma_wait3A_323 = arith.constant 0 : i32
    %dma_wait3A_324 = arith.constant 0 : i32
    %dma_wait3A_325 = tpu.memref_slice %arg3[%dma_wait3A_323, %dma_wait3A_324] : memref<100000x1024xf32, #tpu.memory_space<hbm>> -> memref<100000x1024xf32, #tpu.memory_space<hbm>>
    tpu.wait_indirect_dma semaphore(%arg13 : memref<!tpu.dma_semaphore, #tpu.memory_space<semaphore_mem>>) src(%dma_wait3A_325 : memref<100000x1024xf32, #tpu.memory_space<hbm>>) dst(%arg6 : memref<16x1024xf32, #tpu.memory_space<vmem>>)
    %add3A_326 = arith.constant 224 : i32
    %add3A_327 = arith.addi %mul3A_2, %add3A_326 : i32
    %dma_start3A_328 = arith.constant 0 : i32
    %dma_start3A_329 = tpu.memref_slice %arg4[%add3A_327, %dma_start3A_328] : memref<8192x1024xf32, #tpu.memory_space<hbm>> -> memref<16x1024xf32, #tpu.memory_space<hbm>>
    %dma_start3A_330 = arith.constant 0 : i32
    %dma_start3A_331 = tpu.memref_slice %arg4[%add3A_327, %dma_start3A_330] : memref<8192x1024xf32, #tpu.memory_space<hbm>> -> memref<16x1024xf32, #tpu.memory_space<hbm>>
    tpu.enqueue_dma source(%arg6 : memref<16x1024xf32, #tpu.memory_space<vmem>>) target(%dma_start3A_331 : memref<16x1024xf32, #tpu.memory_space<hbm>>) target_semaphore(%arg20 : memref<!tpu.dma_semaphore, #tpu.memory_space<semaphore_mem>>)
    %dma_wait3A_332 = arith.constant 240 : i32
    %dma_wait3A_333 = tpu.memref_slice %arg5[%dma_wait3A_332] : memref<256xi32, #tpu.memory_space<vmem>> -> memref<16xi32, #tpu.memory_space<vmem>>
    %dma_wait3A_334 = arith.constant 0 : i32
    %dma_wait3A_335 = arith.constant 0 : i32
    %dma_wait3A_336 = tpu.memref_slice %arg3[%dma_wait3A_334, %dma_wait3A_335] : memref<100000x1024xf32, #tpu.memory_space<hbm>> -> memref<100000x1024xf32, #tpu.memory_space<hbm>>
    tpu.wait_indirect_dma semaphore(%arg14 : memref<!tpu.dma_semaphore, #tpu.memory_space<semaphore_mem>>) src(%dma_wait3A_336 : memref<100000x1024xf32, #tpu.memory_space<hbm>>) dst(%arg7 : memref<16x1024xf32, #tpu.memory_space<vmem>>)
    %add3A_337 = arith.constant 240 : i32
    %add3A_338 = arith.addi %mul3A_2, %add3A_337 : i32
    %dma_start3A_339 = arith.constant 0 : i32
    %dma_start3A_340 = tpu.memref_slice %arg4[%add3A_338, %dma_start3A_339] : memref<8192x1024xf32, #tpu.memory_space<hbm>> -> memref<16x1024xf32, #tpu.memory_space<hbm>>
    %dma_start3A_341 = arith.constant 0 : i32
    %dma_start3A_342 = tpu.memref_slice %arg4[%add3A_338, %dma_start3A_341] : memref<8192x1024xf32, #tpu.memory_space<hbm>> -> memref<16x1024xf32, #tpu.memory_space<hbm>>
    tpu.enqueue_dma source(%arg7 : memref<16x1024xf32, #tpu.memory_space<vmem>>) target(%dma_start3A_342 : memref<16x1024xf32, #tpu.memory_space<hbm>>) target_semaphore(%arg21 : memref<!tpu.dma_semaphore, #tpu.memory_space<semaphore_mem>>)
    %add3A_343 = arith.constant 144 : i32
    %add3A_344 = arith.addi %mul3A_2, %add3A_343 : i32
    %dma_wait3A_345 = arith.constant 0 : i32
    %dma_wait3A_346 = tpu.memref_slice %arg4[%add3A_344, %dma_wait3A_345] : memref<8192x1024xf32, #tpu.memory_space<hbm>> -> memref<16x1024xf32, #tpu.memory_space<hbm>>
    %dma_wait3A_347 = arith.constant 0 : i32
    %dma_wait3A_348 = tpu.memref_slice %arg4[%add3A_344, %dma_wait3A_347] : memref<8192x1024xf32, #tpu.memory_space<hbm>> -> memref<16x1024xf32, #tpu.memory_space<hbm>>
    tpu.wait_dma2 semaphore(%arg22 : memref<!tpu.dma_semaphore, #tpu.memory_space<semaphore_mem>>) src(%arg8 : memref<16x1024xf32, #tpu.memory_space<vmem>>) dst(%dma_wait3A_348 : memref<16x1024xf32, #tpu.memory_space<hbm>>)
    %add3A_349 = arith.constant 160 : i32
    %add3A_350 = arith.addi %mul3A_2, %add3A_349 : i32
    %dma_wait3A_351 = arith.constant 0 : i32
    %dma_wait3A_352 = tpu.memref_slice %arg4[%add3A_350, %dma_wait3A_351] : memref<8192x1024xf32, #tpu.memory_space<hbm>> -> memref<16x1024xf32, #tpu.memory_space<hbm>>
    %dma_wait3A_353 = arith.constant 0 : i32
    %dma_wait3A_354 = tpu.memref_slice %arg4[%add3A_350, %dma_wait3A_353] : memref<8192x1024xf32, #tpu.memory_space<hbm>> -> memref<16x1024xf32, #tpu.memory_space<hbm>>
    tpu.wait_dma2 semaphore(%arg23 : memref<!tpu.dma_semaphore, #tpu.memory_space<semaphore_mem>>) src(%arg9 : memref<16x1024xf32, #tpu.memory_space<vmem>>) dst(%dma_wait3A_354 : memref<16x1024xf32, #tpu.memory_space<hbm>>)
    %add3A_355 = arith.constant 176 : i32
    %add3A_356 = arith.addi %mul3A_2, %add3A_355 : i32
    %dma_wait3A_357 = arith.constant 0 : i32
    %dma_wait3A_358 = tpu.memref_slice %arg4[%add3A_356, %dma_wait3A_357] : memref<8192x1024xf32, #tpu.memory_space<hbm>> -> memref<16x1024xf32, #tpu.memory_space<hbm>>
    %dma_wait3A_359 = arith.constant 0 : i32
    %dma_wait3A_360 = tpu.memref_slice %arg4[%add3A_356, %dma_wait3A_359] : memref<8192x1024xf32, #tpu.memory_space<hbm>> -> memref<16x1024xf32, #tpu.memory_space<hbm>>
    tpu.wait_dma2 semaphore(%arg24 : memref<!tpu.dma_semaphore, #tpu.memory_space<semaphore_mem>>) src(%arg10 : memref<16x1024xf32, #tpu.memory_space<vmem>>) dst(%dma_wait3A_360 : memref<16x1024xf32, #tpu.memory_space<hbm>>)
    %add3A_361 = arith.constant 192 : i32
    %add3A_362 = arith.addi %mul3A_2, %add3A_361 : i32
    %dma_wait3A_363 = arith.constant 0 : i32
    %dma_wait3A_364 = tpu.memref_slice %arg4[%add3A_362, %dma_wait3A_363] : memref<8192x1024xf32, #tpu.memory_space<hbm>> -> memref<16x1024xf32, #tpu.memory_space<hbm>>
    %dma_wait3A_365 = arith.constant 0 : i32
    %dma_wait3A_366 = tpu.memref_slice %arg4[%add3A_362, %dma_wait3A_365] : memref<8192x1024xf32, #tpu.memory_space<hbm>> -> memref<16x1024xf32, #tpu.memory_space<hbm>>
    tpu.wait_dma2 semaphore(%arg25 : memref<!tpu.dma_semaphore, #tpu.memory_space<semaphore_mem>>) src(%arg11 : memref<16x1024xf32, #tpu.memory_space<vmem>>) dst(%dma_wait3A_366 : memref<16x1024xf32, #tpu.memory_space<hbm>>)
    %add3A_367 = arith.constant 208 : i32
    %add3A_368 = arith.addi %mul3A_2, %add3A_367 : i32
    %dma_wait3A_369 = arith.constant 0 : i32
    %dma_wait3A_370 = tpu.memref_slice %arg4[%add3A_368, %dma_wait3A_369] : memref<8192x1024xf32, #tpu.memory_space<hbm>> -> memref<16x1024xf32, #tpu.memory_space<hbm>>
    %dma_wait3A_371 = arith.constant 0 : i32
    %dma_wait3A_372 = tpu.memref_slice %arg4[%add3A_368, %dma_wait3A_371] : memref<8192x1024xf32, #tpu.memory_space<hbm>> -> memref<16x1024xf32, #tpu.memory_space<hbm>>
    tpu.wait_dma2 semaphore(%arg26 : memref<!tpu.dma_semaphore, #tpu.memory_space<semaphore_mem>>) src(%arg12 : memref<16x1024xf32, #tpu.memory_space<vmem>>) dst(%dma_wait3A_372 : memref<16x1024xf32, #tpu.memory_space<hbm>>)
    %add3A_373 = arith.constant 224 : i32
    %add3A_374 = arith.addi %mul3A_2, %add3A_373 : i32
    %dma_wait3A_375 = arith.constant 0 : i32
    %dma_wait3A_376 = tpu.memref_slice %arg4[%add3A_374, %dma_wait3A_375] : memref<8192x1024xf32, #tpu.memory_space<hbm>> -> memref<16x1024xf32, #tpu.memory_space<hbm>>
    %dma_wait3A_377 = arith.constant 0 : i32
    %dma_wait3A_378 = tpu.memref_slice %arg4[%add3A_374, %dma_wait3A_377] : memref<8192x1024xf32, #tpu.memory_space<hbm>> -> memref<16x1024xf32, #tpu.memory_space<hbm>>
    tpu.wait_dma2 semaphore(%arg20 : memref<!tpu.dma_semaphore, #tpu.memory_space<semaphore_mem>>) src(%arg6 : memref<16x1024xf32, #tpu.memory_space<vmem>>) dst(%dma_wait3A_378 : memref<16x1024xf32, #tpu.memory_space<hbm>>)
    %add3A_379 = arith.constant 240 : i32
    %add3A_380 = arith.addi %mul3A_2, %add3A_379 : i32
    %dma_wait3A_381 = arith.constant 0 : i32
    %dma_wait3A_382 = tpu.memref_slice %arg4[%add3A_380, %dma_wait3A_381] : memref<8192x1024xf32, #tpu.memory_space<hbm>> -> memref<16x1024xf32, #tpu.memory_space<hbm>>
    %dma_wait3A_383 = arith.constant 0 : i32
    %dma_wait3A_384 = tpu.memref_slice %arg4[%add3A_380, %dma_wait3A_383] : memref<8192x1024xf32, #tpu.memory_space<hbm>> -> memref<16x1024xf32, #tpu.memory_space<hbm>>
    tpu.wait_dma2 semaphore(%arg21 : memref<!tpu.dma_semaphore, #tpu.memory_space<semaphore_mem>>) src(%arg7 : memref<16x1024xf32, #tpu.memory_space<vmem>>) dst(%dma_wait3A_384 : memref<16x1024xf32, #tpu.memory_space<hbm>>)
    return
  }
}

</mosaic_0001>

<sc_bundles>
// kernel: kernel.3.cloned.1.call-start
scs
__scs_entry_jumppad:
0x0: {  	(pc) =	sbr.rel $0x88, $3  }
0x1: {  	(tag) =	ssettag $0x0;
	lr =	simm.s32 $0x1  }
0x2: {  	[smem:$0x3F9F] =	sst lr;
	_ =	strace $0xD0000000  }
0x3: {  	_ = 	snop  }
0x4: {  	_ = 	snop  }
0x5: {  	_ = 	snop  }
0x6: {  	_ = 	snop  }
0x7: {  	_ = 	snop  }
__scs_overlays_trampoline_lowered:
0x8: {  	[smem:$0x3FAE] =	sst s0  }
0x9: {  	[smem:$0x3FAF] =	sst s1  }
0xa: {  	[smem:$0x3FB0] =	sst s2  }
0xb: {  	[smem:$0x3FB1] =	sst s3  }
0xc: {  	[smem:$0x3FB2] =	sst s4  }
0xd: {  	[smem:$0x3FB3] =	sst s5  }
0xe: {  	[smem:$0x3FB4] =	sst s6  }
0xf: {  	[smem:$0x3FB5] =	sst s7  }
0x10: {  	[smem:$0x3FB6] =	sst s8  }
0x11: {  	[smem:$0x3FB7] =	sst s9;
	s0 =	simm.s32 @!p0 $0x0  }
0x12: {  	s1 =	sld [smem:$0x3F9D];
	s0 =	simm.s32 @p0 $0x1  }
0x13: {  	[smem:$0x3FB8] =	sst s0;
	s0 =	simm.s32 @!p1 $0x0  }
0x14: {  	s2 =	sld [smem:$0x3F9C];
	s0 =	simm.s32 @p1 $0x1  }
0x15: {  	[smem:$0x3FB9] =	sst s0;
	s0 =	simm.s32 @!p2 $0x0  }
0x16: {  	s3 =	sld [smem:$0x3FDB];
	s0 =	simm.s32 @p2 $0x1  }
0x17: {  	s4 =	simm.s32 $0x1BF5;
	[smem:$0x3FBB] =	sst s0  }
0x18: {  	s0 =	sld [smem:$0x3F9E];
	_ =	swait.ge [sflag:s4], $0x0  }
0x19: {  	s7 =	sld [smem:$0x3F9F]  }
0x1a: {  	s8 =	sadd.s32 $0xFFFFE003, lr  }
0x1b: {  	s9 =	sadd.s32 $0xFFFFFEF7, lr;
	s5 =	simm.s32 $0xFFFFFFFF;
	p2 =	slt.u32 s8, $0xFFFFF086  }
0x1c: {  	p1 =	slt.u32 s9, $0xF7A;
	s5 =	simm.s32 @!p2 $0x0  }
0x1d: {  	s5 =	simm.s32 @p1 $0x1;
	p0 =	seq.s32 s7, s2  }
0x1e: {  	s7 =	smul.u32 @!p0 $0xF7A, s2;
	p2 =	seq.s32 @!p0 s5, $0x0  }
0x1f: {  	s9 =	smul.u32 $0xF7A, s1;
	s8 =	simm.s32 @!p0 $0x1BF5;
	p2 =	por !p2, p0  }
0x20: {  	[sflag:s8] =	ssyncset.s32 @!p0 $0xFFFFF086;
	s6 =	sadd.s32 @!p0 s3, s7;
	s7 =	simm.s32 @!p0 $0x108  }
0x21: {  	s3 =	sadd.s32 s3, s9;
	s6 =	sadd.s32 @!p0 $0x88, s6;
	s7 =	simm.s32 @p2 $0x1082  }
0x22: {  	[simem:s7], [sflag:s8] =	dma.local @!p0 [hbm:s6], $0xF7A  }
0x23: {  	s9 =	sor.u32 $0xD0000000, s2;
	s6 =	simm.s32 $0x108;
	_ =	swait.ge @!p0 [sflag:s8], $0x0  }
0x24: {  	s3 =	sadd.s32 $0x88, s3;
	s6 =	simm.s32 @!p1 $0x1082;
	[sflag:s4] =	ssyncset.s32 $0xFFFFF086  }
0x25: {  	[simem:s6], [sflag:s4] =	dma.local [hbm:s3], $0xF7A  }
0x26: {  	[smem:$0x3F9F] =	sst s1;
	(tag) =	ssettag s2;
	_ =	strace s9  }
0x27: {  	s1 =	sld [smem:$0x3FAF]  }
0x28: {  	s2 =	sld [smem:$0x3FB0]  }
0x29: {  	s4 =	sld [smem:$0x3FB2]  }
0x2a: {  	p0 =	seq.s32 s5, $0x0;
	s5 =	sld [smem:$0x3FB3]  }
0x2b: {  	s6 =	sld [smem:$0x3FB4]  }
0x2c: {  	s7 =	sld [smem:$0x3FB5]  }
0x2d: {  	s3 =	simm.s32 $0x108;
	s8 =	sld [smem:$0x3FB6]  }
0x2e: {  	s3 =	simm.s32 @!p0 $0x1082;
	s9 =	sld [smem:$0x3FB7]  }
0x2f: {  	lr =	sadd.s32 s0, s3;
	s0 =	sld [smem:$0x3FAE]  }
0x30: {  	s3 =	sld [smem:$0x3FB1]  }
0x31: {  	[smem:$0x3FBA] =	sst s10  }
0x32: {  	s10 =	sld [smem:$0x3FB8];
	_ =	sdelay $0x3  }
0x33: {  	p0 =	seq.s32 s10, $0x1;
	s10 =	sld [smem:$0x3FBA];
	_ =	sdelay $0x3  }
0x34: {  	[smem:$0x3FBA] =	sst s10  }
0x35: {  	s10 =	sld [smem:$0x3FB9];
	_ =	sdelay $0x3  }
0x36: {  	p1 =	seq.s32 s10, $0x1;
	s10 =	sld [smem:$0x3FBA];
	_ =	sdelay $0x3  }
0x37: {  	[smem:$0x3FBA] =	sst s10  }
0x38: {  	s10 =	sld [smem:$0x3FBB]  }
0x39: {  	_ = 	snop;
	(pc) =	sbr.ind lr, $3  }
0x3a: {  	_ = 	snop  }
0x3b: {  	_ = 	snop  }
0x3c: {  	p2 =	seq.s32 s10, $0x1;
	s10 =	sld [smem:$0x3FBA]  }
0x3d: {  	_ =	shalt  }
0x3e: {  	_ =	shalt  }
0x3f: {  	_ =	shalt  }
0x40: {  	_ =	shalt  }
0x41: {  	_ =	shalt  }
0x42: {  	_ =	shalt  }
0x43: {  	_ =	shalt  }
0x44: {  	_ =	shalt  }
0x45: {  	_ =	shalt  }
0x46: {  	_ =	shalt  }
0x47: {  	_ =	shalt  }
0x48: {  	_ =	shalt  }
0x49: {  	_ =	shalt  }
0x4a: {  	_ =	shalt  }
0x4b: {  	_ =	shalt  }
0x4c: {  	_ =	shalt  }
0x4d: {  	_ =	shalt  }
0x4e: {  	_ =	shalt  }
0x4f: {  	_ =	shalt  }
0x50: {  	_ =	shalt  }
0x51: {  	_ =	shalt  }
0x52: {  	_ =	shalt  }
0x53: {  	_ =	shalt  }
0x54: {  	_ =	shalt  }
0x55: {  	_ =	shalt  }
0x56: {  	_ =	shalt  }
0x57: {  	_ =	shalt  }
0x58: {  	_ =	shalt  }
0x59: {  	_ =	shalt  }
0x5a: {  	_ =	shalt  }
0x5b: {  	_ =	shalt  }
0x5c: {  	_ =	shalt  }
0x5d: {  	_ =	shalt  }
0x5e: {  	_ =	shalt  }
0x5f: {  	_ =	shalt  }
0x60: {  	_ =	shalt  }
0x61: {  	_ =	shalt  }
0x62: {  	_ =	shalt  }
0x63: {  	_ =	shalt  }
0x64: {  	_ =	shalt  }
0x65: {  	_ =	shalt  }
0x66: {  	_ =	shalt  }
0x67: {  	_ =	shalt  }
0x68: {  	_ =	shalt  }
0x69: {  	_ =	shalt  }
0x6a: {  	_ =	shalt  }
0x6b: {  	_ =	shalt  }
0x6c: {  	_ =	shalt  }
0x6d: {  	_ =	shalt  }
0x6e: {  	_ =	shalt  }
0x6f: {  	_ =	shalt  }
0x70: {  	_ =	shalt  }
0x71: {  	_ =	shalt  }
0x72: {  	_ =	shalt  }
0x73: {  	_ =	shalt  }
0x74: {  	_ =	shalt  }
0x75: {  	_ =	shalt  }
0x76: {  	_ =	shalt  }
0x77: {  	_ =	shalt  }
0x78: {  	_ =	shalt  }
0x79: {  	_ =	shalt  }
0x7a: {  	_ =	shalt  }
0x7b: {  	_ =	shalt  }
0x7c: {  	_ =	shalt  }
0x7d: {  	_ =	shalt  }
0x7e: {  	_ =	shalt  }
0x7f: {  	_ =	shalt  }
0x80: {  	_ =	shalt  }
0x81: {  	_ =	shalt  }
0x82: {  	_ =	shalt  }
0x83: {  	_ =	shalt  }
0x84: {  	_ =	shalt  }
0x85: {  	_ =	shalt  }
0x86: {  	_ =	shalt  }
0x87: {  	_ =	shalt  }
.Lfunc_end0:
.L_simem_size_0:
called_computation_lowered:
.L_overlay_start_0:
0x88: {  	s2 =	sld [smem:$0x3FD9]  }
0x89: {  	s3 =	sld [smem:$0x3FFE];
	_ =	sdelay $0x1  }
0x8a: {  	s1 =	srdreg.scid  }
0x8b: {  	s0 =	sand.u32 $0x1, s1  }
0x8c: {  	s18 =	sshll.u32 s0, $0xA;
	s2 =	sadd.s32 s3, s2  }
0x8d: {  	s2 =	sadd.s32 s2, s18  }
0x8e: {  	[smem:$0x3FC6] =	sst s2  }
0x8f: {  	_ = 	snop  }
0x90: {  	s2 =	sld [smem:$0x3FC9]  }
0x91: {  	s19 =	sld [smem:$0x3FC8]  }
0x92: {  	s4 =	sld [smem:$0x3FD0];
	(tm) =	ssettm $0x1  }
0x93: {  	s5 =	sld [smem:$0x3FFB];
	_ =	sdelay $0x3  }
0x94: {  	_ =	strace s5  }
0x95: {  	s5 =	sld [smem:$0x3FFC];
	_ =	sdelay $0x3  }
0x96: {  	_ =	strace s5  }
0x97: {  	s5 =	sld [smem:$0x3FFD];
	_ =	sdelay $0x3  }
0x98: {  	_ =	strace s5  }
0x99: {  	_ =	strace $0x8FFFFFFF  }
0x9a: {  	s20 =	sld [smem:$0x3FDB];
	_ =	sdelay $0x1  }
0x9b: {  	s6 =	simm.s32 $_scs_section_size  }
0x9c: {  	s7 =	simm.s32 $_size__tile_overlayer_lowered;
	s8 =	simm.s32 $_tile_overlayer_lowered  }
0x9d: {  	s23 =	simm.s32 $0x1BFF;
	s22 =	sshll.u32 s8, $0x1;
	s5 =	sadd.s32 s6, s20  }
0x9e: {  	s9 =	simm.s32 $0x0;
	s21 =	sshll.u32 s7, $0x1;
	s7 =	sadd.s32 s22, s5  }
0x9f: {  	[timem:s9], [sflag:s23] =	dma.local [hbm:s7], s21  }
0xa0: {  	_ =	swait.ge [sflag:s23], s21  }
0xa1: {  	s6 =	ssub.s32 $0x0, s21;
	[sflag:s23] =	ssyncset.done $0x0  }
0xa2: {  	[sflag:s23] =	ssyncadd.s32 s6;
	_ =	sdelay $0x1  }
0xa3: {  	s24 =	simm.s32 $0x1B8B  }
0xa4: {  	_ =	swait.ge [sflag:s24], $0x1  }
0xa5: {  	[sflag:s24] =	ssyncset.done $0x0  }
0xa6: {  	s25 =	simm.s32 $0x1B8E;
	[sflag:s24] =	ssyncadd.s32 $0xFFFFFFFF  }
0xa7: {  	s26 =	simm.s32 $execute0_lowered;
	[smem:$0x3FD2] =	sst s25  }
0xa8: {  	s6 =	sshll.u32 s26, $0x1;
	_ =	strace $0x80000046;
	[dreg:$0x1] =	wrdreg $0xFFFFFFFF  }
0xa9: {  	s28 =	simm.s32 $_size_execute0_lowered;
	s5 =	sadd.s32 s5, s6;
	[dreg:$0x0] =	wrdreg $0x0  }
0xaa: {  	s6 =	sshll.u32 s28, $0x1;
	[dreg:$0x2] =	wrdreg s5  }
0xab: {  	[dreg:$0x3] =	wrdreg s6  }
0xac: {  	[dreg:$0x4] =	wrdreg $0xC0  }
0xad: {  	_ =	task [dreg:s9], $0x5FFFF  }
0xae: {  	[dreg:$0x1] =	wrdreg $0xFFFFFFFF  }
0xaf: {  	[dreg:$0x0] =	wrdreg $0x60  }
0xb0: {  	[dreg:$0x2] =	wrdreg s2  }
0xb1: {  	[dreg:$0x3] =	wrdreg s19  }
0xb2: {  	[dreg:$0x4] =	wrdreg s4  }
0xb3: {  	[dreg:$0x5] =	wrdreg $0x9  }
0xb4: {  	_ =	task.clear_ibuf [dreg:s9], $0x6FFFF;
	_ =	strace $0x90000046  }
0xb5: {  	s29 =	simm.s32 $0x9;
	_ =	strace $0x80000048  }
0xb6: {  	_ =	swait.ge [sflag:s29], $0x1  }
0xb7: {  	[sflag:s29] =	ssyncadd.s32 $0xFFFFFFFF  }
0xb8: {  	_ =	strace $0x90000048  }
0xb9: {  	_ =	sfence  }
0xba: {  	s30 =	sld [smem:$0x0];
	_ =	sdelay $0x2  }
0xbb: {  	s31 =	sshll.u32 s1, $0xD;
	s1 =	sshrl.u32 s1, $0x2  }
0xbc: {  	s3 =	sand.u32 $0x4000, s31;
	s1 =	sadd.s32 s1, s30  }
0xbd: {  	s0 =	sor.u32 s3, s0;
	s1 =	sshll.u32 s1, $0x11  }
0xbe: {  	s0 =	sor.u32 s1, s0  }
0xbf: {  	s0 =	sadd.s32 $0x8F2B, s0  }
0xc0: {  	[sflag:s0] =	ssyncadd.remote.s32 $0x1  }
0xc1: {  	_ =	sfence.sel $0xFFFF  }
0xc2: {  	[dreg:$0x0] =	wrdreg $0xFFFFFFFF;
	(pc) =	sbr.abs _section_cstart, $3  }
0xc3: {  	[dreg:$0x1] =	wrdreg $0xFFFFFFFF  }
0xc4: {  	_ =	task.clear_ibuf [dreg:s9], $0x2FFFF;
	_ =	strace $0x9FFFFFFF  }
0xc5: {  	(tm) =	ssettm $0x7FFFFFFF  }
tec
execute0_lowered:
.L_overlay_start_1:
0x0: {  	(tag) =	ssettag $0x1  }
0x1: {  	s0 =	rddreg [dreg:$0x0]  }
0x2: {  	s2 =	rddreg [dreg:$0x1]  }
0x3: {  	s1 =	rddreg [dreg:$0x2];
	s3 =	srdreg.scid  }
0x4: {  	s6 =	stileid.u32;
	s26 =	simm.s32 $0x80;
	s31 =	simm.s32 $0x200  }
0x5: {  	s4 =	sand.u32 $0x1, s3;
	s5 =	sshll.u32 s6, $0x1;
	s6 =	sshll.u32 s6, $0x2  }
0x6: {  	s3 =	simm.s32 $0x0;
	s5 =	sor.u32 s4, s5;
	s6 =	sand.u32 $0x30, s6  }
0x7: {  	[smem:$0x7FF] =	sst s3;
	s7 =	sshll.u32 s5, $0x7;
	s0 =	sadd.s32 s0, s6  }
0x8: {  	s5 =	sshll.u32 s5, $0xF;
	_ =	strace $0x80000047;
	[dreg:$0x14] =	wrdreg s26  }
0x9: {  	[dreg:$0x15] =	wrdreg s31;
	s7 =	sand.u32 $0x380, s7;
	s9 =	sadd.s32 s1, s5  }
0xa: {  	s0 =	sadd.s32 s7, s0;
	[dreg:$0x16] =	wrdreg s9  }
0xb: {  	s10 =	sadd.s32 $0x800, s9;
	[dreg:$0x4] =	wrdreg s0  }
0xc: {  	s11 =	sadd.s32 $0x1000, s9;
	[dreg:$0x5] =	wrdreg s10  }
0xd: {  	s30 =	simm.s32 $0x2;
	s12 =	sadd.s32 $0x1800, s9;
	[dreg:$0x6] =	wrdreg s11  }
0xe: {  	s28 =	simm.s32 $0x8900;
	s13 =	sadd.s32 $0x2000, s9;
	[dreg:$0x7] =	wrdreg s12  }
0xf: {  	s29 =	simm.s32 $0xB100;
	s14 =	sadd.s32 $0x2800, s9;
	[dreg:$0x8] =	wrdreg s13  }
0x10: {  	s20 =	ssub.s32 $0x2, s4;
	s15 =	sadd.s32 $0x3000, s9;
	[dreg:$0x9] =	wrdreg s14  }
0x11: {  	s4 =	sshrl.u32 s20, $0x1;
	s16 =	sadd.s32 $0x3800, s9;
	[dreg:$0xa] =	wrdreg s15  }
0x12: {  	s6 =	sadd.s32 $0x200, s2;
	s17 =	sadd.s32 $0x4000, s9;
	[dreg:$0xb] =	wrdreg s16  }
0x13: {  	s26 =	simm.s32 $0xA900;
	s18 =	sadd.s32 $0x4800, s9;
	[dreg:$0xc] =	wrdreg s17  }
0x14: {  	s1 =	ssub.s32 s20, s4;
	s19 =	sadd.s32 $0x5000, s9;
	[dreg:$0xd] =	wrdreg s18  }
0x15: {  	s5 =	sadd.s32 $0x100, s2;
	s21 =	sadd.s32 $0x5800, s9;
	[dreg:$0xe] =	wrdreg s19  }
0x16: {  	s20 =	simm.s32 $0x10100;
	s22 =	sadd.s32 $0x6000, s9;
	[dreg:$0xf] =	wrdreg s21  }
0x17: {  	s23 =	sadd.s32 $0x6800, s9;
	s24 =	sadd.s32 $0x7000, s9;
	[dreg:$0x10] =	wrdreg s22  }
0x18: {  	s25 =	sadd.s32 $0x7800, s9;
	s7 =	sadd.s32 $0x300, s2;
	[dreg:$0x11] =	wrdreg s23  }
0x19: {  	s8 =	smax.u32 s1, $0x1;
	s9 =	simm.s32 $0x8;
	[dreg:$0x12] =	wrdreg s24  }
0x1a: {  	v2 =	vlaneseq.u32;
	[dreg:$0x13] =	wrdreg s25;
	s21 =	simm.s32 $0x1;
	s12 =	simm.s32 $0x9  }
0x1b: {  	vm0 =	vmmov $0xffff;
	v1 =	vshrl.u32 v2, $0x3;
	s13 =	simm.s32 $0x100;
	s10 =	simm.s32 $0x4100;
	s15 =	simm.s32 $0x8100  }
0x1c: {  	v0 =	vand.u32 $0x7, v2;
	v2 =	vor.u32 $0x8, v2;
	v1 =	vmul.u32 $0x8, v1;
	s19 =	simm.s32 $0xC100;
	s14 =	simm.s32 $0x14100;
	s11 =	simm.s32 $0x18100  }
.LBB2_1:
0x1d: {  	s22 =	rddreg [dreg:$0x4]  }
0x1e: {  	s23 =	rddreg [dreg:$0x14]  }
0x1f: {  	s24 =	rddreg [dreg:$0x15]  }
0x20: {  	[tilespmem:s3], [sflag:$0xF] =	stream.strided.gather [hbm4b:s22+s23], $0x100, s24, s23, $0x38;
	[tilespmem:$0x1C100] =	vst v63  }
0x21: {  	s24 =	simm.s32 $0xF  }
0x22: {  	_ =	swait.ge [sflag:s24], $0x100  }
0x23: {  	[sflag:s24] =	ssyncset.done $0x0  }
0x24: {  	[sflag:s24] =	ssyncadd.s32 $0xFFFFFF00  }
0x25: {  	v3 =	vld [tilespmem:$0x0];
	_ =	sdelay $0x4  }
0x26: {  	v4 =	vshll.u32 v3, $0x3  }
0x27: {  	v3 =	vand.u32 $0x7, v3;
	v4 =	vand.u32 $0xFFFFFFC0, v4  }
0x28: {  	v3 =	vor.u32 v3, v4  }
0x29: {  	v4 =	vperm.xlane v3, v0;
	_ =	sdelay $0x1  }
0x2a: {  	v4 =	vadd.s32 v1, v4;
	_ =	sdelay $0x4  }
0x2b: {  	[tilespmem:s13], [sflag:$0x1] =	stream.indirect_vreg.gather [hbm4b:s2+s3], $0x80, v4, vm0, $0xb8;
	[tilespmem:$0x1C100] =	vst v63  }
0x2c: {  	s0 =	simm.s32 $0x900;
	v3 =	vperm.xlane v3, v2  }
0x2d: {  	[tilespmem:s0], [sflag:$0x1] =	stream.indirect_vreg.gather [hbm4b:s5+s3], $0x80, v4, vm0, $0xb8;
	[tilespmem:$0x1C100] =	vst v63  }
0x2e: {  	s25 =	simm.s32 $0x1100;
	v3 =	vadd.s32 v1, v3  }
0x2f: {  	[tilespmem:s25], [sflag:$0x1] =	stream.indirect_vreg.gather [hbm4b:s6+s3], $0x80, v4, vm0, $0xb8;
	[tilespmem:$0x1C100] =	vst v63  }
0x30: {  	s31 =	simm.s32 $0x1900  }
0x31: {  	[tilespmem:s31], [sflag:$0x1] =	stream.indirect_vreg.gather [hbm4b:s7+s3], $0x80, v4, vm0, $0xb8;
	[tilespmem:$0x1C100] =	vst v63  }
0x32: {  	s4 =	simm.s32 $0x2100  }
0x33: {  	[tilespmem:s4], [sflag:$0x1] =	stream.indirect_vreg.gather [hbm4b:s2+s3], $0x80, v3, vm0, $0xb8;
	[tilespmem:$0x1C100] =	vst v63  }
0x34: {  	s16 =	simm.s32 $0x2900  }
0x35: {  	[tilespmem:s16], [sflag:$0x1] =	stream.indirect_vreg.gather [hbm4b:s5+s3], $0x80, v3, vm0, $0xb8;
	[tilespmem:$0x1C100] =	vst v63  }
0x36: {  	s17 =	simm.s32 $0x3100  }
0x37: {  	[tilespmem:s17], [sflag:$0x1] =	stream.indirect_vreg.gather [hbm4b:s6+s3], $0x80, v3, vm0, $0xb8;
	[tilespmem:$0x1C100] =	vst v63  }
0x38: {  	s18 =	simm.s32 $0x3900  }
0x39: {  	[tilespmem:s18], [sflag:$0x1] =	stream.indirect_vreg.gather [hbm4b:s7+s3], $0x80, v3, vm0, $0xb8;
	[tilespmem:$0x1C100] =	vst v63  }
0x3a: {  	v3 =	vld [tilespmem:$0x10];
	_ =	sdelay $0x4  }
0x3b: {  	v49 =	vshll.u32 v3, $0x3  }
0x3c: {  	v3 =	vand.u32 $0x7, v3;
	v4 =	vand.u32 $0xFFFFFFC0, v49  }
0x3d: {  	v3 =	vor.u32 v3, v4  }
0x3e: {  	v4 =	vperm.xlane v3, v0;
	_ =	sdelay $0x1  }
0x3f: {  	v4 =	vadd.s32 v1, v4;
	_ =	sdelay $0x4  }
0x40: {  	[tilespmem:s10], [sflag:$0x2] =	stream.indirect_vreg.gather [hbm4b:s2+s3], $0x80, v4, vm0, $0xb8;
	[tilespmem:$0x1C100] =	vst v63  }
0x41: {  	s22 =	simm.s32 $0x4900;
	v3 =	vperm.xlane v3, v2  }
0x42: {  	[tilespmem:s22], [sflag:$0x2] =	stream.indirect_vreg.gather [hbm4b:s5+s3], $0x80, v4, vm0, $0xb8;
	[tilespmem:$0x1C100] =	vst v63  }
0x43: {  	s23 =	simm.s32 $0x5100;
	v3 =	vadd.s32 v1, v3  }
0x44: {  	[tilespmem:s23], [sflag:$0x2] =	stream.indirect_vreg.gather [hbm4b:s6+s3], $0x80, v4, vm0, $0xb8;
	[tilespmem:$0x1C100] =	vst v63  }
0x45: {  	s24 =	simm.s32 $0x5900  }
0x46: {  	[tilespmem:s24], [sflag:$0x2] =	stream.indirect_vreg.gather [hbm4b:s7+s3], $0x80, v4, vm0, $0xb8;
	[tilespmem:$0x1C100] =	vst v63  }
0x47: {  	s25 =	simm.s32 $0x6100  }
0x48: {  	[tilespmem:s25], [sflag:$0x2] =	stream.indirect_vreg.gather [hbm4b:s2+s3], $0x80, v3, vm0, $0xb8;
	[tilespmem:$0x1C100] =	vst v63  }
0x49: {  	s16 =	simm.s32 $0x6900  }
0x4a: {  	[tilespmem:s16], [sflag:$0x2] =	stream.indirect_vreg.gather [hbm4b:s5+s3], $0x80, v3, vm0, $0xb8;
	[tilespmem:$0x1C100] =	vst v63  }
0x4b: {  	s17 =	simm.s32 $0x7100  }
0x4c: {  	[tilespmem:s17], [sflag:$0x2] =	stream.indirect_vreg.gather [hbm4b:s6+s3], $0x80, v3, vm0, $0xb8;
	[tilespmem:$0x1C100] =	vst v63  }
0x4d: {  	s18 =	simm.s32 $0x7900  }
0x4e: {  	[tilespmem:s18], [sflag:$0x2] =	stream.indirect_vreg.gather [hbm4b:s7+s3], $0x80, v3, vm0, $0xb8;
	[tilespmem:$0x1C100] =	vst v63  }
0x4f: {  	v3 =	vld [tilespmem:$0x20];
	_ =	sdelay $0x4  }
0x50: {  	v50 =	vshll.u32 v3, $0x3  }
0x51: {  	v3 =	vand.u32 $0x7, v3;
	v4 =	vand.u32 $0xFFFFFFC0, v50  }
0x52: {  	v3 =	vor.u32 v3, v4  }
0x53: {  	v4 =	vperm.xlane v3, v0;
	_ =	sdelay $0x1  }
0x54: {  	v4 =	vadd.s32 v1, v4;
	_ =	sdelay $0x4  }
0x55: {  	[tilespmem:s15], [sflag:$0x3] =	stream.indirect_vreg.gather [hbm4b:s2+s3], $0x80, v4, vm0, $0xb8;
	[tilespmem:$0x1C100] =	vst v63  }
0x56: {  	v3 =	vperm.xlane v3, v2  }
0x57: {  	[tilespmem:s28], [sflag:$0x3] =	stream.indirect_vreg.gather [hbm4b:s5+s3], $0x80, v4, vm0, $0xb8;
	[tilespmem:$0x1C100] =	vst v63  }
0x58: {  	s17 =	simm.s32 $0x9100;
	v3 =	vadd.s32 v1, v3  }
0x59: {  	[tilespmem:s17], [sflag:$0x3] =	stream.indirect_vreg.gather [hbm4b:s6+s3], $0x80, v4, vm0, $0xb8;
	[tilespmem:$0x1C100] =	vst v63  }
0x5a: {  	s18 =	simm.s32 $0x9900  }
0x5b: {  	[tilespmem:s18], [sflag:$0x3] =	stream.indirect_vreg.gather [hbm4b:s7+s3], $0x80, v4, vm0, $0xb8;
	[tilespmem:$0x1C100] =	vst v63  }
0x5c: {  	s25 =	simm.s32 $0xA100  }
0x5d: {  	[tilespmem:s25], [sflag:$0x3] =	stream.indirect_vreg.gather [hbm4b:s2+s3], $0x80, v3, vm0, $0xb8;
	[tilespmem:$0x1C100] =	vst v63  }
0x5e: {  	_ = 	snop  }
0x5f: {  	[tilespmem:s26], [sflag:$0x3] =	stream.indirect_vreg.gather [hbm4b:s5+s3], $0x80, v3, vm0, $0xb8;
	[tilespmem:$0x1C100] =	vst v63  }
0x60: {  	_ = 	snop  }
0x61: {  	[tilespmem:s29], [sflag:$0x3] =	stream.indirect_vreg.gather [hbm4b:s6+s3], $0x80, v3, vm0, $0xb8;
	[tilespmem:$0x1C100] =	vst v63  }
0x62: {  	s16 =	simm.s32 $0xB900  }
0x63: {  	[tilespmem:s16], [sflag:$0x3] =	stream.indirect_vreg.gather [hbm4b:s7+s3], $0x80, v3, vm0, $0xb8;
	[tilespmem:$0x1C100] =	vst v63  }
0x64: {  	v3 =	vld [tilespmem:$0x30];
	_ =	sdelay $0x4  }
0x65: {  	v51 =	vshll.u32 v3, $0x3  }
0x66: {  	v3 =	vand.u32 $0x7, v3;
	v4 =	vand.u32 $0xFFFFFFC0, v51  }
0x67: {  	v3 =	vor.u32 v3, v4  }
0x68: {  	v4 =	vperm.xlane v3, v0;
	_ =	sdelay $0x1  }
0x69: {  	v4 =	vadd.s32 v1, v4;
	_ =	sdelay $0x4  }
0x6a: {  	[tilespmem:s19], [sflag:$0x4] =	stream.indirect_vreg.gather [hbm4b:s2+s3], $0x80, v4, vm0, $0xb8;
	[tilespmem:$0x1C100] =	vst v63  }
0x6b: {  	s23 =	simm.s32 $0xC900;
	v3 =	vperm.xlane v3, v2  }
0x6c: {  	[tilespmem:s23], [sflag:$0x4] =	stream.indirect_vreg.gather [hbm4b:s5+s3], $0x80, v4, vm0, $0xb8;
	[tilespmem:$0x1C100] =	vst v63  }
0x6d: {  	s24 =	simm.s32 $0xD100;
	v3 =	vadd.s32 v1, v3  }
0x6e: {  	[tilespmem:s24], [sflag:$0x4] =	stream.indirect_vreg.gather [hbm4b:s6+s3], $0x80, v4, vm0, $0xb8;
	[tilespmem:$0x1C100] =	vst v63  }
0x6f: {  	s22 =	simm.s32 $0xD900  }
0x70: {  	[tilespmem:s22], [sflag:$0x4] =	stream.indirect_vreg.gather [hbm4b:s7+s3], $0x80, v4, vm0, $0xb8;
	[tilespmem:$0x1C100] =	vst v63  }
0x71: {  	s22 =	simm.s32 $0xE100  }
0x72: {  	[tilespmem:s22], [sflag:$0x4] =	stream.indirect_vreg.gather [hbm4b:s2+s3], $0x80, v3, vm0, $0xb8;
	[tilespmem:$0x1C100] =	vst v63  }
0x73: {  	s22 =	simm.s32 $0xE900  }
0x74: {  	[tilespmem:s22], [sflag:$0x4] =	stream.indirect_vreg.gather [hbm4b:s5+s3], $0x80, v3, vm0, $0xb8;
	[tilespmem:$0x1C100] =	vst v63  }
0x75: {  	s22 =	simm.s32 $0xF100  }
0x76: {  	[tilespmem:s22], [sflag:$0x4] =	stream.indirect_vreg.gather [hbm4b:s6+s3], $0x80, v3, vm0, $0xb8;
	[tilespmem:$0x1C100] =	vst v63  }
0x77: {  	s22 =	simm.s32 $0xF900  }
0x78: {  	[tilespmem:s22], [sflag:$0x4] =	stream.indirect_vreg.gather [hbm4b:s7+s3], $0x80, v3, vm0, $0xb8;
	[tilespmem:$0x1C100] =	vst v63  }
0x79: {  	v3 =	vld [tilespmem:$0x40];
	_ =	sdelay $0x4  }
0x7a: {  	v52 =	vshll.u32 v3, $0x3  }
0x7b: {  	v3 =	vand.u32 $0x7, v3;
	v4 =	vand.u32 $0xFFFFFFC0, v52  }
0x7c: {  	v3 =	vor.u32 v3, v4  }
0x7d: {  	v4 =	vperm.xlane v3, v0;
	_ =	sdelay $0x1  }
0x7e: {  	v4 =	vadd.s32 v1, v4;
	_ =	sdelay $0x4  }
0x7f: {  	[tilespmem:s20], [sflag:$0x5] =	stream.indirect_vreg.gather [hbm4b:s2+s3], $0x80, v4, vm0, $0xb8;
	[tilespmem:$0x1C100] =	vst v63  }
0x80: {  	s22 =	simm.s32 $0x10900;
	v3 =	vperm.xlane v3, v2  }
0x81: {  	[tilespmem:s22], [sflag:$0x5] =	stream.indirect_vreg.gather [hbm4b:s5+s3], $0x80, v4, vm0, $0xb8;
	[tilespmem:$0x1C100] =	vst v63  }
0x82: {  	v3 =	vadd.s32 v1, v3;
	s22 =	simm.s32 $0x11100  }
0x83: {  	[tilespmem:s22], [sflag:$0x5] =	stream.indirect_vreg.gather [hbm4b:s6+s3], $0x80, v4, vm0, $0xb8;
	[tilespmem:$0x1C100] =	vst v63  }
0x84: {  	s22 =	simm.s32 $0x11900  }
0x85: {  	[tilespmem:s22], [sflag:$0x5] =	stream.indirect_vreg.gather [hbm4b:s7+s3], $0x80, v4, vm0, $0xb8;
	[tilespmem:$0x1C100] =	vst v63  }
0x86: {  	s22 =	simm.s32 $0x12100  }
0x87: {  	[tilespmem:s22], [sflag:$0x5] =	stream.indirect_vreg.gather [hbm4b:s2+s3], $0x80, v3, vm0, $0xb8;
	[tilespmem:$0x1C100] =	vst v63  }
0x88: {  	s22 =	simm.s32 $0x12900  }
0x89: {  	[tilespmem:s22], [sflag:$0x5] =	stream.indirect_vreg.gather [hbm4b:s5+s3], $0x80, v3, vm0, $0xb8;
	[tilespmem:$0x1C100] =	vst v63  }
0x8a: {  	s22 =	simm.s32 $0x13100  }
0x8b: {  	[tilespmem:s22], [sflag:$0x5] =	stream.indirect_vreg.gather [hbm4b:s6+s3], $0x80, v3, vm0, $0xb8;
	[tilespmem:$0x1C100] =	vst v63  }
0x8c: {  	s22 =	simm.s32 $0x13900  }
0x8d: {  	[tilespmem:s22], [sflag:$0x5] =	stream.indirect_vreg.gather [hbm4b:s7+s3], $0x80, v3, vm0, $0xb8;
	[tilespmem:$0x1C100] =	vst v63  }
0x8e: {  	_ =	swait.ge [sflag:s21], $0x4000  }
0x8f: {  	[sflag:s21] =	ssyncset.done $0x0  }
0x90: {  	s0 =	rddreg [dreg:$0x16];
	[sflag:s21] =	ssyncadd.s32 $0xFFFFC000  }
0x91: {  	[hbm4b:s0+s3] =	stream.linear.scatter [tilespmem:s13], [sflag:$0x8], $0x4000, $0x38;
	[tilespmem:$0x1C100] =	vst v63  }
0x92: {  	v3 =	vld [tilespmem:$0x50];
	_ =	sdelay $0x4  }
0x93: {  	v53 =	vshll.u32 v3, $0x3  }
0x94: {  	v3 =	vand.u32 $0x7, v3;
	v4 =	vand.u32 $0xFFFFFFC0, v53  }
0x95: {  	v3 =	vor.u32 v3, v4  }
0x96: {  	v4 =	vperm.xlane v3, v0;
	_ =	sdelay $0x1  }
0x97: {  	v4 =	vadd.s32 v1, v4;
	_ =	sdelay $0x4  }
0x98: {  	[tilespmem:s14], [sflag:$0x6] =	stream.indirect_vreg.gather [hbm4b:s2+s3], $0x80, v4, vm0, $0xb8;
	[tilespmem:$0x1C100] =	vst v63  }
0x99: {  	s22 =	simm.s32 $0x14900;
	v3 =	vperm.xlane v3, v2  }
0x9a: {  	[tilespmem:s22], [sflag:$0x6] =	stream.indirect_vreg.gather [hbm4b:s5+s3], $0x80, v4, vm0, $0xb8;
	[tilespmem:$0x1C100] =	vst v63  }
0x9b: {  	v3 =	vadd.s32 v1, v3;
	s22 =	simm.s32 $0x15100  }
0x9c: {  	[tilespmem:s22], [sflag:$0x6] =	stream.indirect_vreg.gather [hbm4b:s6+s3], $0x80, v4, vm0, $0xb8;
	[tilespmem:$0x1C100] =	vst v63  }
0x9d: {  	s22 =	simm.s32 $0x15900  }
0x9e: {  	[tilespmem:s22], [sflag:$0x6] =	stream.indirect_vreg.gather [hbm4b:s7+s3], $0x80, v4, vm0, $0xb8;
	[tilespmem:$0x1C100] =	vst v63  }
0x9f: {  	s22 =	simm.s32 $0x16100  }
0xa0: {  	[tilespmem:s22], [sflag:$0x6] =	stream.indirect_vreg.gather [hbm4b:s2+s3], $0x80, v3, vm0, $0xb8;
	[tilespmem:$0x1C100] =	vst v63  }
0xa1: {  	s22 =	simm.s32 $0x16900  }
0xa2: {  	[tilespmem:s22], [sflag:$0x6] =	stream.indirect_vreg.gather [hbm4b:s5+s3], $0x80, v3, vm0, $0xb8;
	[tilespmem:$0x1C100] =	vst v63  }
0xa3: {  	s22 =	simm.s32 $0x17100  }
0xa4: {  	[tilespmem:s22], [sflag:$0x6] =	stream.indirect_vreg.gather [hbm4b:s6+s3], $0x80, v3, vm0, $0xb8;
	[tilespmem:$0x1C100] =	vst v63  }
0xa5: {  	s22 =	simm.s32 $0x17900  }
0xa6: {  	[tilespmem:s22], [sflag:$0x6] =	stream.indirect_vreg.gather [hbm4b:s7+s3], $0x80, v3, vm0, $0xb8;
	[tilespmem:$0x1C100] =	vst v63  }
0xa7: {  	_ =	swait.ge [sflag:s30], $0x4000  }
0xa8: {  	[sflag:s30] =	ssyncset.done $0x0  }
0xa9: {  	s0 =	rddreg [dreg:$0x5];
	[sflag:s30] =	ssyncadd.s32 $0xFFFFC000  }
0xaa: {  	[hbm4b:s0+s3] =	stream.linear.scatter [tilespmem:s10], [sflag:$0x9], $0x4000, $0x38;
	[tilespmem:$0x1C100] =	vst v63  }
0xab: {  	v3 =	vld [tilespmem:$0x60];
	_ =	sdelay $0x4  }
0xac: {  	v54 =	vshll.u32 v3, $0x3  }
0xad: {  	v3 =	vand.u32 $0x7, v3;
	v4 =	vand.u32 $0xFFFFFFC0, v54  }
0xae: {  	v3 =	vor.u32 v3, v4  }
0xaf: {  	v4 =	vperm.xlane v3, v0;
	_ =	sdelay $0x1  }
0xb0: {  	v4 =	vadd.s32 v1, v4;
	_ =	sdelay $0x4  }
0xb1: {  	[tilespmem:s11], [sflag:$0x7] =	stream.indirect_vreg.gather [hbm4b:s2+s3], $0x80, v4, vm0, $0xb8;
	[tilespmem:$0x1C100] =	vst v63  }
0xb2: {  	s22 =	simm.s32 $0x18900;
	v3 =	vperm.xlane v3, v2  }
0xb3: {  	[tilespmem:s22], [sflag:$0x7] =	stream.indirect_vreg.gather [hbm4b:s5+s3], $0x80, v4, vm0, $0xb8;
	[tilespmem:$0x1C100] =	vst v63  }
0xb4: {  	v3 =	vadd.s32 v1, v3;
	s22 =	simm.s32 $0x19100  }
0xb5: {  	[tilespmem:s22], [sflag:$0x7] =	stream.indirect_vreg.gather [hbm4b:s6+s3], $0x80, v4, vm0, $0xb8;
	[tilespmem:$0x1C100] =	vst v63  }
0xb6: {  	s22 =	simm.s32 $0x19900  }
0xb7: {  	[tilespmem:s22], [sflag:$0x7] =	stream.indirect_vreg.gather [hbm4b:s7+s3], $0x80, v4, vm0, $0xb8;
	[tilespmem:$0x1C100] =	vst v63  }
0xb8: {  	s22 =	simm.s32 $0x1A100  }
0xb9: {  	[tilespmem:s22], [sflag:$0x7] =	stream.indirect_vreg.gather [hbm4b:s2+s3], $0x80, v3, vm0, $0xb8;
	[tilespmem:$0x1C100] =	vst v63  }
0xba: {  	s22 =	simm.s32 $0x1A900  }
0xbb: {  	[tilespmem:s22], [sflag:$0x7] =	stream.indirect_vreg.gather [hbm4b:s5+s3], $0x80, v3, vm0, $0xb8;
	[tilespmem:$0x1C100] =	vst v63  }
0xbc: {  	s22 =	simm.s32 $0x1B100  }
0xbd: {  	[tilespmem:s22], [sflag:$0x7] =	stream.indirect_vreg.gather [hbm4b:s6+s3], $0x80, v3, vm0, $0xb8;
	[tilespmem:$0x1C100] =	vst v63  }
0xbe: {  	s0 =	simm.s32 $0x3;
	s22 =	simm.s32 $0x1B900  }
0xbf: {  	[tilespmem:s22], [sflag:$0x7] =	stream.indirect_vreg.gather [hbm4b:s7+s3], $0x80, v3, vm0, $0xb8;
	[tilespmem:$0x1C100] =	vst v63  }
0xc0: {  	_ =	swait.ge [sflag:s0], $0x4000  }
0xc1: {  	[sflag:s0] =	ssyncset.done $0x0  }
0xc2: {  	s22 =	rddreg [dreg:$0x6];
	[sflag:s0] =	ssyncadd.s32 $0xFFFFC000  }
0xc3: {  	[hbm4b:s22+s3] =	stream.linear.scatter [tilespmem:s15], [sflag:$0xA], $0x4000, $0x38;
	[tilespmem:$0x1C100] =	vst v63  }
0xc4: {  	_ =	swait.ge [sflag:s9], $0x4000  }
0xc5: {  	[sflag:s9] =	ssyncset.done $0x0  }
0xc6: {  	[sflag:s9] =	ssyncadd.s32 $0xFFFFC000  }
0xc7: {  	v3 =	vld [tilespmem:$0x70];
	_ =	sdelay $0x4  }
0xc8: {  	v55 =	vshll.u32 v3, $0x3  }
0xc9: {  	v3 =	vand.u32 $0x7, v3;
	v4 =	vand.u32 $0xFFFFFFC0, v55  }
0xca: {  	v3 =	vor.u32 v3, v4  }
0xcb: {  	v4 =	vperm.xlane v3, v0;
	_ =	sdelay $0x1  }
0xcc: {  	v4 =	vadd.s32 v1, v4;
	_ =	sdelay $0x4  }
0xcd: {  	[tilespmem:s13], [sflag:$0x1] =	stream.indirect_vreg.gather [hbm4b:s2+s3], $0x80, v4, vm0, $0xb8;
	[tilespmem:$0x1C100] =	vst v63  }
0xce: {  	s1 =	simm.s32 $0x900;
	v3 =	vperm.xlane v3, v2  }
0xcf: {  	[tilespmem:s1], [sflag:$0x1] =	stream.indirect_vreg.gather [hbm4b:s5+s3], $0x80, v4, vm0, $0xb8;
	[tilespmem:$0x1C100] =	vst v63  }
0xd0: {  	s22 =	simm.s32 $0x1100;
	v3 =	vadd.s32 v1, v3  }
0xd1: {  	[tilespmem:s22], [sflag:$0x1] =	stream.indirect_vreg.gather [hbm4b:s6+s3], $0x80, v4, vm0, $0xb8;
	[tilespmem:$0x1C100] =	vst v63  }
0xd2: {  	s22 =	simm.s32 $0x1900  }
0xd3: {  	[tilespmem:s22], [sflag:$0x1] =	stream.indirect_vreg.gather [hbm4b:s7+s3], $0x80, v4, vm0, $0xb8;
	[tilespmem:$0x1C100] =	vst v63  }
0xd4: {  	s31 =	simm.s32 $0x2100  }
0xd5: {  	[tilespmem:s31], [sflag:$0x1] =	stream.indirect_vreg.gather [hbm4b:s2+s3], $0x80, v3, vm0, $0xb8;
	[tilespmem:$0x1C100] =	vst v63  }
0xd6: {  	s22 =	simm.s32 $0x2900  }
0xd7: {  	[tilespmem:s22], [sflag:$0x1] =	stream.indirect_vreg.gather [hbm4b:s5+s3], $0x80, v3, vm0, $0xb8;
	[tilespmem:$0x1C100] =	vst v63  }
0xd8: {  	s31 =	simm.s32 $0x3100  }
0xd9: {  	[tilespmem:s31], [sflag:$0x1] =	stream.indirect_vreg.gather [hbm4b:s6+s3], $0x80, v3, vm0, $0xb8;
	[tilespmem:$0x1C100] =	vst v63  }
0xda: {  	s4 =	simm.s32 $0x3900;
	s1 =	simm.s32 $0x4  }
0xdb: {  	[tilespmem:s4], [sflag:$0x1] =	stream.indirect_vreg.gather [hbm4b:s7+s3], $0x80, v3, vm0, $0xb8;
	[tilespmem:$0x1C100] =	vst v63  }
0xdc: {  	_ =	swait.ge [sflag:s1], $0x4000  }
0xdd: {  	[sflag:s1] =	ssyncset.done $0x0  }
0xde: {  	s4 =	rddreg [dreg:$0x7];
	[sflag:s1] =	ssyncadd.s32 $0xFFFFC000  }
0xdf: {  	[hbm4b:s4+s3] =	stream.linear.scatter [tilespmem:s19], [sflag:$0xB], $0x4000, $0x38;
	[tilespmem:$0x1C100] =	vst v63  }
0xe0: {  	_ =	swait.ge [sflag:s12], $0x4000  }
0xe1: {  	[sflag:s12] =	ssyncset.done $0x0  }
0xe2: {  	[sflag:s12] =	ssyncadd.s32 $0xFFFFC000  }
0xe3: {  	v3 =	vld [tilespmem:$0x80];
	_ =	sdelay $0x4  }
0xe4: {  	v56 =	vshll.u32 v3, $0x3  }
0xe5: {  	v3 =	vand.u32 $0x7, v3;
	v4 =	vand.u32 $0xFFFFFFC0, v56  }
0xe6: {  	v3 =	vor.u32 v3, v4  }
0xe7: {  	v4 =	vperm.xlane v3, v0;
	_ =	sdelay $0x1  }
0xe8: {  	v4 =	vadd.s32 v1, v4;
	_ =	sdelay $0x4  }
0xe9: {  	[tilespmem:s10], [sflag:$0x2] =	stream.indirect_vreg.gather [hbm4b:s2+s3], $0x80, v4, vm0, $0xb8;
	[tilespmem:$0x1C100] =	vst v63  }
0xea: {  	s22 =	simm.s32 $0x4900;
	v3 =	vperm.xlane v3, v2  }
0xeb: {  	[tilespmem:s22], [sflag:$0x2] =	stream.indirect_vreg.gather [hbm4b:s5+s3], $0x80, v4, vm0, $0xb8;
	[tilespmem:$0x1C100] =	vst v63  }
0xec: {  	s31 =	simm.s32 $0x5100;
	v3 =	vadd.s32 v1, v3  }
0xed: {  	[tilespmem:s31], [sflag:$0x2] =	stream.indirect_vreg.gather [hbm4b:s6+s3], $0x80, v4, vm0, $0xb8;
	[tilespmem:$0x1C100] =	vst v63  }
0xee: {  	s22 =	simm.s32 $0x5900  }
0xef: {  	[tilespmem:s22], [sflag:$0x2] =	stream.indirect_vreg.gather [hbm4b:s7+s3], $0x80, v4, vm0, $0xb8;
	[tilespmem:$0x1C100] =	vst v63  }
0xf0: {  	s31 =	simm.s32 $0x6100  }
0xf1: {  	[tilespmem:s31], [sflag:$0x2] =	stream.indirect_vreg.gather [hbm4b:s2+s3], $0x80, v3, vm0, $0xb8;
	[tilespmem:$0x1C100] =	vst v63  }
0xf2: {  	s22 =	simm.s32 $0x6900  }
0xf3: {  	[tilespmem:s22], [sflag:$0x2] =	stream.indirect_vreg.gather [hbm4b:s5+s3], $0x80, v3, vm0, $0xb8;
	[tilespmem:$0x1C100] =	vst v63  }
0xf4: {  	s31 =	simm.s32 $0x7100  }
0xf5: {  	[tilespmem:s31], [sflag:$0x2] =	stream.indirect_vreg.gather [hbm4b:s6+s3], $0x80, v3, vm0, $0xb8;
	[tilespmem:$0x1C100] =	vst v63  }
0xf6: {  	s4 =	simm.s32 $0x5;
	s22 =	simm.s32 $0x7900  }
0xf7: {  	[tilespmem:s22], [sflag:$0x2] =	stream.indirect_vreg.gather [hbm4b:s7+s3], $0x80, v3, vm0, $0xb8;
	[tilespmem:$0x1C100] =	vst v63  }
0xf8: {  	_ =	swait.ge [sflag:s4], $0x4000  }
0xf9: {  	[sflag:s4] =	ssyncset.done $0x0  }
0xfa: {  	s31 =	rddreg [dreg:$0x8];
	[sflag:s4] =	ssyncadd.s32 $0xFFFFC000  }
0xfb: {  	[hbm4b:s31+s3] =	stream.linear.scatter [tilespmem:s20], [sflag:$0xC], $0x4000, $0x38;
	[tilespmem:$0x1C100] =	vst v63  }
0xfc: {  	s31 =	simm.s32 $0xA  }
0xfd: {  	_ =	swait.ge [sflag:s31], $0x4000  }
0xfe: {  	[sflag:s31] =	ssyncset.done $0x0  }
0xff: {  	[sflag:s31] =	ssyncadd.s32 $0xFFFFC000  }
0x100: {  	v3 =	vld [tilespmem:$0x90];
	_ =	sdelay $0x4  }
0x101: {  	v57 =	vshll.u32 v3, $0x3  }
0x102: {  	v3 =	vand.u32 $0x7, v3;
	v4 =	vand.u32 $0xFFFFFFC0, v57  }
0x103: {  	v3 =	vor.u32 v3, v4  }
0x104: {  	v4 =	vperm.xlane v3, v0;
	_ =	sdelay $0x1  }
0x105: {  	v4 =	vadd.s32 v1, v4;
	_ =	sdelay $0x4  }
0x106: {  	[tilespmem:s15], [sflag:$0x3] =	stream.indirect_vreg.gather [hbm4b:s2+s3], $0x80, v4, vm0, $0xb8;
	[tilespmem:$0x1C100] =	vst v63  }
0x107: {  	v3 =	vperm.xlane v3, v2  }
0x108: {  	[tilespmem:s28], [sflag:$0x3] =	stream.indirect_vreg.gather [hbm4b:s5+s3], $0x80, v4, vm0, $0xb8;
	[tilespmem:$0x1C100] =	vst v63  }
0x109: {  	v3 =	vadd.s32 v1, v3  }
0x10a: {  	[tilespmem:s17], [sflag:$0x3] =	stream.indirect_vreg.gather [hbm4b:s6+s3], $0x80, v4, vm0, $0xb8;
	[tilespmem:$0x1C100] =	vst v63  }
0x10b: {  	_ = 	snop  }
0x10c: {  	[tilespmem:s18], [sflag:$0x3] =	stream.indirect_vreg.gather [hbm4b:s7+s3], $0x80, v4, vm0, $0xb8;
	[tilespmem:$0x1C100] =	vst v63  }
0x10d: {  	_ = 	snop  }
0x10e: {  	[tilespmem:s25], [sflag:$0x3] =	stream.indirect_vreg.gather [hbm4b:s2+s3], $0x80, v3, vm0, $0xb8;
	[tilespmem:$0x1C100] =	vst v63  }
0x10f: {  	_ = 	snop  }
0x110: {  	[tilespmem:s26], [sflag:$0x3] =	stream.indirect_vreg.gather [hbm4b:s5+s3], $0x80, v3, vm0, $0xb8;
	[tilespmem:$0x1C100] =	vst v63  }
0x111: {  	_ = 	snop  }
0x112: {  	[tilespmem:s29], [sflag:$0x3] =	stream.indirect_vreg.gather [hbm4b:s6+s3], $0x80, v3, vm0, $0xb8;
	[tilespmem:$0x1C100] =	vst v63  }
0x113: {  	_ = 	snop  }
0x114: {  	[tilespmem:s16], [sflag:$0x3] =	stream.indirect_vreg.gather [hbm4b:s7+s3], $0x80, v3, vm0, $0xb8;
	[tilespmem:$0x1C100] =	vst v63  }
0x115: {  	s16 =	simm.s32 $0x6  }
0x116: {  	_ =	swait.ge [sflag:s16], $0x4000  }
0x117: {  	[sflag:s16] =	ssyncset.done $0x0  }
0x118: {  	s17 =	simm.s32 $0xB;
	s18 =	rddreg [dreg:$0x9];
	[sflag:s16] =	ssyncadd.s32 $0xFFFFC000  }
0x119: {  	[hbm4b:s18+s3] =	stream.linear.scatter [tilespmem:s14], [sflag:$0xD], $0x4000, $0x38;
	[tilespmem:$0x1C100] =	vst v63  }
0x11a: {  	_ =	swait.ge [sflag:s17], $0x4000  }
0x11b: {  	[sflag:s17] =	ssyncset.done $0x0  }
0x11c: {  	[sflag:s17] =	ssyncadd.s32 $0xFFFFC000  }
0x11d: {  	v3 =	vld [tilespmem:$0xA0];
	_ =	sdelay $0x4  }
0x11e: {  	v58 =	vshll.u32 v3, $0x3  }
0x11f: {  	v3 =	vand.u32 $0x7, v3;
	v4 =	vand.u32 $0xFFFFFFC0, v58  }
0x120: {  	v3 =	vor.u32 v3, v4  }
0x121: {  	v4 =	vperm.xlane v3, v0;
	_ =	sdelay $0x1  }
0x122: {  	v4 =	vadd.s32 v1, v4;
	_ =	sdelay $0x4  }
0x123: {  	[tilespmem:s19], [sflag:$0x4] =	stream.indirect_vreg.gather [hbm4b:s2+s3], $0x80, v4, vm0, $0xb8;
	[tilespmem:$0x1C100] =	vst v63  }
0x124: {  	v3 =	vperm.xlane v3, v2  }
0x125: {  	[tilespmem:s23], [sflag:$0x4] =	stream.indirect_vreg.gather [hbm4b:s5+s3], $0x80, v4, vm0, $0xb8;
	[tilespmem:$0x1C100] =	vst v63  }
0x126: {  	v3 =	vadd.s32 v1, v3  }
0x127: {  	[tilespmem:s24], [sflag:$0x4] =	stream.indirect_vreg.gather [hbm4b:s6+s3], $0x80, v4, vm0, $0xb8;
	[tilespmem:$0x1C100] =	vst v63  }
0x128: {  	s23 =	simm.s32 $0xD900  }
0x129: {  	[tilespmem:s23], [sflag:$0x4] =	stream.indirect_vreg.gather [hbm4b:s7+s3], $0x80, v4, vm0, $0xb8;
	[tilespmem:$0x1C100] =	vst v63  }
0x12a: {  	s24 =	simm.s32 $0xE100  }
0x12b: {  	[tilespmem:s24], [sflag:$0x4] =	stream.indirect_vreg.gather [hbm4b:s2+s3], $0x80, v3, vm0, $0xb8;
	[tilespmem:$0x1C100] =	vst v63  }
0x12c: {  	s25 =	simm.s32 $0xE900  }
0x12d: {  	[tilespmem:s25], [sflag:$0x4] =	stream.indirect_vreg.gather [hbm4b:s5+s3], $0x80, v3, vm0, $0xb8;
	[tilespmem:$0x1C100] =	vst v63  }
0x12e: {  	s22 =	simm.s32 $0xF100  }
0x12f: {  	[tilespmem:s22], [sflag:$0x4] =	stream.indirect_vreg.gather [hbm4b:s6+s3], $0x80, v3, vm0, $0xb8;
	[tilespmem:$0x1C100] =	vst v63  }
0x130: {  	s18 =	simm.s32 $0x7;
	s23 =	simm.s32 $0xF900  }
0x131: {  	[tilespmem:s23], [sflag:$0x4] =	stream.indirect_vreg.gather [hbm4b:s7+s3], $0x80, v3, vm0, $0xb8;
	[tilespmem:$0x1C100] =	vst v63  }
0x132: {  	_ =	swait.ge [sflag:s18], $0x4000  }
0x133: {  	[sflag:s18] =	ssyncset.done $0x0  }
0x134: {  	s23 =	simm.s32 $0xC;
	s24 =	rddreg [dreg:$0xa];
	[sflag:s18] =	ssyncadd.s32 $0xFFFFC000  }
0x135: {  	[hbm4b:s24+s3] =	stream.linear.scatter [tilespmem:s11], [sflag:$0xE], $0x4000, $0x38;
	[tilespmem:$0x1C100] =	vst v63  }
0x136: {  	_ =	swait.ge [sflag:s23], $0x4000  }
0x137: {  	[sflag:s23] =	ssyncset.done $0x0  }
0x138: {  	[sflag:s23] =	ssyncadd.s32 $0xFFFFC000  }
0x139: {  	v3 =	vld [tilespmem:$0xB0];
	_ =	sdelay $0x4  }
0x13a: {  	v59 =	vshll.u32 v3, $0x3  }
0x13b: {  	v3 =	vand.u32 $0x7, v3;
	v4 =	vand.u32 $0xFFFFFFC0, v59  }
0x13c: {  	v3 =	vor.u32 v3, v4  }
0x13d: {  	v4 =	vperm.xlane v3, v0;
	_ =	sdelay $0x1  }
0x13e: {  	v4 =	vadd.s32 v1, v4;
	_ =	sdelay $0x4  }
0x13f: {  	[tilespmem:s20], [sflag:$0x5] =	stream.indirect_vreg.gather [hbm4b:s2+s3], $0x80, v4, vm0, $0xb8;
	[tilespmem:$0x1C100] =	vst v63  }
0x140: {  	s25 =	simm.s32 $0x10900;
	v3 =	vperm.xlane v3, v2  }
0x141: {  	[tilespmem:s25], [sflag:$0x5] =	stream.indirect_vreg.gather [hbm4b:s5+s3], $0x80, v4, vm0, $0xb8;
	[tilespmem:$0x1C100] =	vst v63  }
0x142: {  	s24 =	simm.s32 $0x11100;
	v3 =	vadd.s32 v1, v3  }
0x143: {  	[tilespmem:s24], [sflag:$0x5] =	stream.indirect_vreg.gather [hbm4b:s6+s3], $0x80, v4, vm0, $0xb8;
	[tilespmem:$0x1C100] =	vst v63  }
0x144: {  	s25 =	simm.s32 $0x11900  }
0x145: {  	[tilespmem:s25], [sflag:$0x5] =	stream.indirect_vreg.gather [hbm4b:s7+s3], $0x80, v4, vm0, $0xb8;
	[tilespmem:$0x1C100] =	vst v63  }
0x146: {  	s24 =	simm.s32 $0x12100  }
0x147: {  	[tilespmem:s24], [sflag:$0x5] =	stream.indirect_vreg.gather [hbm4b:s2+s3], $0x80, v3, vm0, $0xb8;
	[tilespmem:$0x1C100] =	vst v63  }
0x148: {  	s25 =	simm.s32 $0x12900  }
0x149: {  	[tilespmem:s25], [sflag:$0x5] =	stream.indirect_vreg.gather [hbm4b:s5+s3], $0x80, v3, vm0, $0xb8;
	[tilespmem:$0x1C100] =	vst v63  }
0x14a: {  	s24 =	simm.s32 $0x13100  }
0x14b: {  	[tilespmem:s24], [sflag:$0x5] =	stream.indirect_vreg.gather [hbm4b:s6+s3], $0x80, v3, vm0, $0xb8;
	[tilespmem:$0x1C100] =	vst v63  }
0x14c: {  	s25 =	simm.s32 $0x13900  }
0x14d: {  	[tilespmem:s25], [sflag:$0x5] =	stream.indirect_vreg.gather [hbm4b:s7+s3], $0x80, v3, vm0, $0xb8;
	[tilespmem:$0x1C100] =	vst v63  }
0x14e: {  	_ =	swait.ge [sflag:s21], $0x4000  }
0x14f: {  	[sflag:s21] =	ssyncset.done $0x0  }
0x150: {  	s24 =	rddreg [dreg:$0xb];
	[sflag:s21] =	ssyncadd.s32 $0xFFFFC000  }
0x151: {  	[hbm4b:s24+s3] =	stream.linear.scatter [tilespmem:s13], [sflag:$0x8], $0x4000, $0x38;
	[tilespmem:$0x1C100] =	vst v63  }
0x152: {  	s24 =	simm.s32 $0xD  }
0x153: {  	_ =	swait.ge [sflag:s24], $0x4000  }
0x154: {  	[sflag:s24] =	ssyncset.done $0x0  }
0x155: {  	[sflag:s24] =	ssyncadd.s32 $0xFFFFC000  }
0x156: {  	v3 =	vld [tilespmem:$0xC0];
	_ =	sdelay $0x4  }
0x157: {  	v60 =	vshll.u32 v3, $0x3  }
0x158: {  	v3 =	vand.u32 $0x7, v3;
	v4 =	vand.u32 $0xFFFFFFC0, v60  }
0x159: {  	v3 =	vor.u32 v3, v4  }
0x15a: {  	v4 =	vperm.xlane v3, v0;
	_ =	sdelay $0x1  }
0x15b: {  	v4 =	vadd.s32 v1, v4;
	_ =	sdelay $0x4  }
0x15c: {  	[tilespmem:s14], [sflag:$0x6] =	stream.indirect_vreg.gather [hbm4b:s2+s3], $0x80, v4, vm0, $0xb8;
	[tilespmem:$0x1C100] =	vst v63  }
0x15d: {  	s25 =	simm.s32 $0x14900;
	v3 =	vperm.xlane v3, v2  }
0x15e: {  	[tilespmem:s25], [sflag:$0x6] =	stream.indirect_vreg.gather [hbm4b:s5+s3], $0x80, v4, vm0, $0xb8;
	[tilespmem:$0x1C100] =	vst v63  }
0x15f: {  	v3 =	vadd.s32 v1, v3;
	s25 =	simm.s32 $0x15100  }
0x160: {  	[tilespmem:s25], [sflag:$0x6] =	stream.indirect_vreg.gather [hbm4b:s6+s3], $0x80, v4, vm0, $0xb8;
	[tilespmem:$0x1C100] =	vst v63  }
0x161: {  	s25 =	simm.s32 $0x15900  }
0x162: {  	[tilespmem:s25], [sflag:$0x6] =	stream.indirect_vreg.gather [hbm4b:s7+s3], $0x80, v4, vm0, $0xb8;
	[tilespmem:$0x1C100] =	vst v63  }
0x163: {  	s25 =	simm.s32 $0x16100  }
0x164: {  	[tilespmem:s25], [sflag:$0x6] =	stream.indirect_vreg.gather [hbm4b:s2+s3], $0x80, v3, vm0, $0xb8;
	[tilespmem:$0x1C100] =	vst v63  }
0x165: {  	s25 =	simm.s32 $0x16900  }
0x166: {  	[tilespmem:s25], [sflag:$0x6] =	stream.indirect_vreg.gather [hbm4b:s5+s3], $0x80, v3, vm0, $0xb8;
	[tilespmem:$0x1C100] =	vst v63  }
0x167: {  	s25 =	simm.s32 $0x17100  }
0x168: {  	[tilespmem:s25], [sflag:$0x6] =	stream.indirect_vreg.gather [hbm4b:s6+s3], $0x80, v3, vm0, $0xb8;
	[tilespmem:$0x1C100] =	vst v63  }
0x169: {  	s25 =	simm.s32 $0x17900  }
0x16a: {  	[tilespmem:s25], [sflag:$0x6] =	stream.indirect_vreg.gather [hbm4b:s7+s3], $0x80, v3, vm0, $0xb8;
	[tilespmem:$0x1C100] =	vst v63  }
0x16b: {  	_ =	swait.ge [sflag:s30], $0x4000  }
0x16c: {  	[sflag:s30] =	ssyncset.done $0x0  }
0x16d: {  	s25 =	rddreg [dreg:$0xc];
	[sflag:s30] =	ssyncadd.s32 $0xFFFFC000  }
0x16e: {  	[hbm4b:s25+s3] =	stream.linear.scatter [tilespmem:s10], [sflag:$0x9], $0x4000, $0x38;
	[tilespmem:$0x1C100] =	vst v63  }
0x16f: {  	s25 =	simm.s32 $0xE  }
0x170: {  	_ =	swait.ge [sflag:s25], $0x4000  }
0x171: {  	[sflag:s25] =	ssyncset.done $0x0  }
0x172: {  	[sflag:s25] =	ssyncadd.s32 $0xFFFFC000  }
0x173: {  	v3 =	vld [tilespmem:$0xD0];
	_ =	sdelay $0x4  }
0x174: {  	v61 =	vshll.u32 v3, $0x3  }
0x175: {  	v3 =	vand.u32 $0x7, v3;
	v4 =	vand.u32 $0xFFFFFFC0, v61  }
0x176: {  	v3 =	vor.u32 v3, v4  }
0x177: {  	v4 =	vperm.xlane v3, v0;
	_ =	sdelay $0x1  }
0x178: {  	v4 =	vadd.s32 v1, v4;
	_ =	sdelay $0x4  }
0x179: {  	[tilespmem:s11], [sflag:$0x7] =	stream.indirect_vreg.gather [hbm4b:s2+s3], $0x80, v4, vm0, $0xb8;
	[tilespmem:$0x1C100] =	vst v63  }
0x17a: {  	s22 =	simm.s32 $0x18900;
	v3 =	vperm.xlane v3, v2  }
0x17b: {  	[tilespmem:s22], [sflag:$0x7] =	stream.indirect_vreg.gather [hbm4b:s5+s3], $0x80, v4, vm0, $0xb8;
	[tilespmem:$0x1C100] =	vst v63  }
0x17c: {  	v3 =	vadd.s32 v1, v3;
	s22 =	simm.s32 $0x19100  }
0x17d: {  	[tilespmem:s22], [sflag:$0x7] =	stream.indirect_vreg.gather [hbm4b:s6+s3], $0x80, v4, vm0, $0xb8;
	[tilespmem:$0x1C100] =	vst v63  }
0x17e: {  	s22 =	simm.s32 $0x19900  }
0x17f: {  	[tilespmem:s22], [sflag:$0x7] =	stream.indirect_vreg.gather [hbm4b:s7+s3], $0x80, v4, vm0, $0xb8;
	[tilespmem:$0x1C100] =	vst v63  }
0x180: {  	s22 =	simm.s32 $0x1A100  }
0x181: {  	[tilespmem:s22], [sflag:$0x7] =	stream.indirect_vreg.gather [hbm4b:s2+s3], $0x80, v3, vm0, $0xb8;
	[tilespmem:$0x1C100] =	vst v63  }
0x182: {  	s22 =	simm.s32 $0x1A900  }
0x183: {  	[tilespmem:s22], [sflag:$0x7] =	stream.indirect_vreg.gather [hbm4b:s5+s3], $0x80, v3, vm0, $0xb8;
	[tilespmem:$0x1C100] =	vst v63  }
0x184: {  	s22 =	simm.s32 $0x1B100  }
0x185: {  	[tilespmem:s22], [sflag:$0x7] =	stream.indirect_vreg.gather [hbm4b:s6+s3], $0x80, v3, vm0, $0xb8;
	[tilespmem:$0x1C100] =	vst v63  }
0x186: {  	s22 =	simm.s32 $0x1B900  }
0x187: {  	[tilespmem:s22], [sflag:$0x7] =	stream.indirect_vreg.gather [hbm4b:s7+s3], $0x80, v3, vm0, $0xb8;
	[tilespmem:$0x1C100] =	vst v63  }
0x188: {  	_ =	swait.ge [sflag:s0], $0x4000  }
0x189: {  	[sflag:s0] =	ssyncset.done $0x0  }
0x18a: {  	s22 =	rddreg [dreg:$0xd];
	[sflag:s0] =	ssyncadd.s32 $0xFFFFC000  }
0x18b: {  	[hbm4b:s22+s3] =	stream.linear.scatter [tilespmem:s15], [sflag:$0xA], $0x4000, $0x38;
	[tilespmem:$0x1C100] =	vst v63  }
0x18c: {  	_ =	swait.ge [sflag:s9], $0x4000  }
0x18d: {  	[sflag:s9] =	ssyncset.done $0x0  }
0x18e: {  	[sflag:s9] =	ssyncadd.s32 $0xFFFFC000  }
0x18f: {  	v3 =	vld [tilespmem:$0xE0];
	_ =	sdelay $0x4  }
0x190: {  	v62 =	vshll.u32 v3, $0x3  }
0x191: {  	v3 =	vand.u32 $0x7, v3;
	v4 =	vand.u32 $0xFFFFFFC0, v62  }
0x192: {  	v3 =	vor.u32 v3, v4  }
0x193: {  	v4 =	vperm.xlane v3, v0;
	_ =	sdelay $0x1  }
0x194: {  	v4 =	vadd.s32 v1, v4;
	_ =	sdelay $0x4  }
0x195: {  	[tilespmem:s13], [sflag:$0x1] =	stream.indirect_vreg.gather [hbm4b:s2+s3], $0x80, v4, vm0, $0xb8;
	[tilespmem:$0x1C100] =	vst v63  }
0x196: {  	s22 =	simm.s32 $0x900;
	v3 =	vperm.xlane v3, v2  }
0x197: {  	[tilespmem:s22], [sflag:$0x1] =	stream.indirect_vreg.gather [hbm4b:s5+s3], $0x80, v4, vm0, $0xb8;
	[tilespmem:$0x1C100] =	vst v63  }
0x198: {  	v3 =	vadd.s32 v1, v3;
	s22 =	simm.s32 $0x1100  }
0x199: {  	[tilespmem:s22], [sflag:$0x1] =	stream.indirect_vreg.gather [hbm4b:s6+s3], $0x80, v4, vm0, $0xb8;
	[tilespmem:$0x1C100] =	vst v63  }
0x19a: {  	s22 =	simm.s32 $0x1900  }
0x19b: {  	[tilespmem:s22], [sflag:$0x1] =	stream.indirect_vreg.gather [hbm4b:s7+s3], $0x80, v4, vm0, $0xb8;
	[tilespmem:$0x1C100] =	vst v63  }
0x19c: {  	s22 =	simm.s32 $0x2100  }
0x19d: {  	[tilespmem:s22], [sflag:$0x1] =	stream.indirect_vreg.gather [hbm4b:s2+s3], $0x80, v3, vm0, $0xb8;
	[tilespmem:$0x1C100] =	vst v63  }
0x19e: {  	s22 =	simm.s32 $0x2900  }
0x19f: {  	[tilespmem:s22], [sflag:$0x1] =	stream.indirect_vreg.gather [hbm4b:s5+s3], $0x80, v3, vm0, $0xb8;
	[tilespmem:$0x1C100] =	vst v63  }
0x1a0: {  	s22 =	simm.s32 $0x3100  }
0x1a1: {  	[tilespmem:s22], [sflag:$0x1] =	stream.indirect_vreg.gather [hbm4b:s6+s3], $0x80, v3, vm0, $0xb8;
	[tilespmem:$0x1C100] =	vst v63  }
0x1a2: {  	s22 =	simm.s32 $0x3900  }
0x1a3: {  	[tilespmem:s22], [sflag:$0x1] =	stream.indirect_vreg.gather [hbm4b:s7+s3], $0x80, v3, vm0, $0xb8;
	[tilespmem:$0x1C100] =	vst v63  }
0x1a4: {  	_ =	swait.ge [sflag:s1], $0x4000  }
0x1a5: {  	[sflag:s1] =	ssyncset.done $0x0  }
0x1a6: {  	s0 =	rddreg [dreg:$0xe];
	[sflag:s1] =	ssyncadd.s32 $0xFFFFC000  }
0x1a7: {  	[hbm4b:s0+s3] =	stream.linear.scatter [tilespmem:s19], [sflag:$0xB], $0x4000, $0x38;
	[tilespmem:$0x1C100] =	vst v63  }
0x1a8: {  	_ =	swait.ge [sflag:s12], $0x4000  }
0x1a9: {  	[sflag:s12] =	ssyncset.done $0x0  }
0x1aa: {  	[sflag:s12] =	ssyncadd.s32 $0xFFFFC000  }
0x1ab: {  	v3 =	vld [tilespmem:$0xF0];
	_ =	sdelay $0x4  }
0x1ac: {  	v63 =	vshll.u32 v3, $0x3  }
0x1ad: {  	v3 =	vand.u32 $0x7, v3;
	v4 =	vand.u32 $0xFFFFFFC0, v63  }
0x1ae: {  	v3 =	vor.u32 v3, v4  }
0x1af: {  	v4 =	vperm.xlane v3, v0;
	_ =	sdelay $0x1  }
0x1b0: {  	v4 =	vadd.s32 v1, v4;
	_ =	sdelay $0x4  }
0x1b1: {  	[tilespmem:s10], [sflag:$0x2] =	stream.indirect_vreg.gather [hbm4b:s2+s3], $0x80, v4, vm0, $0xb8;
	[tilespmem:$0x1C100] =	vst v63  }
0x1b2: {  	s22 =	simm.s32 $0x4900;
	v3 =	vperm.xlane v3, v2  }
0x1b3: {  	[tilespmem:s22], [sflag:$0x2] =	stream.indirect_vreg.gather [hbm4b:s5+s3], $0x80, v4, vm0, $0xb8;
	[tilespmem:$0x1C100] =	vst v63  }
0x1b4: {  	s1 =	simm.s32 $0x5100;
	v3 =	vadd.s32 v1, v3  }
0x1b5: {  	[tilespmem:s1], [sflag:$0x2] =	stream.indirect_vreg.gather [hbm4b:s6+s3], $0x80, v4, vm0, $0xb8;
	[tilespmem:$0x1C100] =	vst v63  }
0x1b6: {  	s22 =	simm.s32 $0x5900  }
0x1b7: {  	[tilespmem:s22], [sflag:$0x2] =	stream.indirect_vreg.gather [hbm4b:s7+s3], $0x80, v4, vm0, $0xb8;
	[tilespmem:$0x1C100] =	vst v63  }
0x1b8: {  	s1 =	simm.s32 $0x6100  }
0x1b9: {  	[tilespmem:s1], [sflag:$0x2] =	stream.indirect_vreg.gather [hbm4b:s2+s3], $0x80, v3, vm0, $0xb8;
	[tilespmem:$0x1C100] =	vst v63  }
0x1ba: {  	s22 =	simm.s32 $0x6900  }
0x1bb: {  	[tilespmem:s22], [sflag:$0x2] =	stream.indirect_vreg.gather [hbm4b:s5+s3], $0x80, v3, vm0, $0xb8;
	[tilespmem:$0x1C100] =	vst v63  }
0x1bc: {  	s1 =	simm.s32 $0x7100  }
0x1bd: {  	[tilespmem:s1], [sflag:$0x2] =	stream.indirect_vreg.gather [hbm4b:s6+s3], $0x80, v3, vm0, $0xb8;
	[tilespmem:$0x1C100] =	vst v63  }
0x1be: {  	s22 =	simm.s32 $0x7900  }
0x1bf: {  	[tilespmem:s22], [sflag:$0x2] =	stream.indirect_vreg.gather [hbm4b:s7+s3], $0x80, v3, vm0, $0xb8;
	[tilespmem:$0x1C100] =	vst v63  }
0x1c0: {  	_ =	swait.ge [sflag:s4], $0x4000  }
0x1c1: {  	[sflag:s4] =	ssyncset.done $0x0  }
0x1c2: {  	s0 =	rddreg [dreg:$0xf];
	[sflag:s4] =	ssyncadd.s32 $0xFFFFC000  }
0x1c3: {  	[hbm4b:s0+s3] =	stream.linear.scatter [tilespmem:s20], [sflag:$0xC], $0x4000, $0x38;
	[tilespmem:$0x1C100] =	vst v63  }
0x1c4: {  	_ =	swait.ge [sflag:s16], $0x4000  }
0x1c5: {  	[sflag:s16] =	ssyncset.done $0x0  }
0x1c6: {  	s1 =	rddreg [dreg:$0x10];
	[sflag:s16] =	ssyncadd.s32 $0xFFFFC000  }
0x1c7: {  	[hbm4b:s1+s3] =	stream.linear.scatter [tilespmem:s14], [sflag:$0xD], $0x4000, $0x38;
	[tilespmem:$0x1C100] =	vst v63  }
0x1c8: {  	_ =	swait.ge [sflag:s18], $0x4000  }
0x1c9: {  	[sflag:s18] =	ssyncset.done $0x0  }
0x1ca: {  	s4 =	rddreg [dreg:$0x11];
	[sflag:s18] =	ssyncadd.s32 $0xFFFFC000  }
0x1cb: {  	[hbm4b:s4+s3] =	stream.linear.scatter [tilespmem:s11], [sflag:$0xE], $0x4000, $0x38;
	[tilespmem:$0x1C100] =	vst v63  }
0x1cc: {  	_ =	swait.ge [sflag:s21], $0x4000  }
0x1cd: {  	[sflag:s21] =	ssyncset.done $0x0  }
0x1ce: {  	s16 =	rddreg [dreg:$0x12];
	[sflag:s21] =	ssyncadd.s32 $0xFFFFC000  }
0x1cf: {  	[hbm4b:s16+s3] =	stream.linear.scatter [tilespmem:s13], [sflag:$0x8], $0x4000, $0x38;
	[tilespmem:$0x1C100] =	vst v63  }
0x1d0: {  	_ =	swait.ge [sflag:s30], $0x4000  }
0x1d1: {  	[sflag:s30] =	ssyncset.done $0x0  }
0x1d2: {  	s18 =	rddreg [dreg:$0x13];
	[sflag:s30] =	ssyncadd.s32 $0xFFFFC000  }
0x1d3: {  	[hbm4b:s18+s3] =	stream.linear.scatter [tilespmem:s10], [sflag:$0x9], $0x4000, $0x38;
	[tilespmem:$0x1C100] =	vst v63  }
0x1d4: {  	_ =	swait.ge [sflag:s31], $0x4000  }
0x1d5: {  	[sflag:s31] =	ssyncset.done $0x0  }
0x1d6: {  	[sflag:s31] =	ssyncadd.s32 $0xFFFFC000  }
0x1d7: {  	_ =	swait.ge [sflag:s17], $0x4000  }
0x1d8: {  	[sflag:s17] =	ssyncset.done $0x0  }
0x1d9: {  	[sflag:s17] =	ssyncadd.s32 $0xFFFFC000  }
0x1da: {  	_ =	swait.ge [sflag:s23], $0x4000  }
0x1db: {  	[sflag:s23] =	ssyncset.done $0x0  }
0x1dc: {  	[sflag:s23] =	ssyncadd.s32 $0xFFFFC000  }
0x1dd: {  	_ =	swait.ge [sflag:s24], $0x4000  }
0x1de: {  	[sflag:s24] =	ssyncset.done $0x0  }
0x1df: {  	[sflag:s24] =	ssyncadd.s32 $0xFFFFC000  }
0x1e0: {  	_ =	swait.ge [sflag:s25], $0x4000  }
0x1e1: {  	[sflag:s25] =	ssyncset.done $0x0  }
0x1e2: {  	[sflag:s25] =	ssyncadd.s32 $0xFFFFC000  }
0x1e3: {  	p0 =	sne.s32 s8, $0x1;
	_ =	swait.ge [sflag:s9], $0x4000  }
.Ltmp0:
0x1e4: {  	[sflag:s9] =	ssyncset.done $0x0;
	(pc) =	sbr.rel @p0 .LBB2_1-.Ltmp0, $4  }
0x1e5: {  	[sflag:s9] =	ssyncadd.s32 $0xFFFFC000  }
0x1e6: {  	_ =	swait.ge [sflag:s12], $0x4000  }
0x1e7: {  	[sflag:s12] =	ssyncset.done $0x0  }
0x1e8: {  	s8 =	sadd.s32 $0xFFFFFFFF, s8;
	[sflag:s12] =	ssyncadd.s32 $0xFFFFC000  }
0x1e9: {  	_ =	sfence.sel $0x180000  }
0x1ea: {  	[bflag:$0x0] =	sbarrier.arrive $0xFFFF  }
0x1eb: {  	_ =	strace $0x90000047  }
0x1ec: {  	s0 =	stileid.u32;
	[bflag:$0x2] =	sbarrier.arrive $0xFFFF  }
0x1ed: {  	p0 =	sne.s32 s0, $0x0;
	s0 =	rddreg [dreg:$0x3]  }
0x1ee: {  	s0 =	sadd.s32 @!p0 $0x100000, s0  }
0x1ef: {  	[sflag:s0] =	ssyncadd.tile.s32 @!p0 $0x1;
	_ =	shalt  }
.Lfunc_end2:
_tile_overlayer_lowered:
.L_overlay_start_2:
0x1f0: {  	(tag) =	ssettag $0x2  }
0x1f1: {  	s0 =	rddreg [dreg:$0x0];
	s2 =	stileid.u32  }
0x1f2: {  	s1 =	rddreg [dreg:$0x1];
	p0 =	sne.s32 s2, $0x0  }
0x1f3: {  	s3 =	rddreg [dreg:$0x2];
	[bflag:$0x3] =	sbarrier.arrive $0xFFFF;
	s2 =	simm.s32 @!p0 $0x1C0F  }
0x1f4: {  	[timem:s3], [sflag:s2] =	dma.local @!p0 [hbm:s0], s1  }
0x1f5: {  	s0 =	simm.s32 @!p0 $0xF  }
0x1f6: {  	_ =	swait.ge @!p0 [sflag:s0], s1  }
0x1f7: {  	s1 =	ssub.s32 @!p0 $0x0, s1;
	[sflag:s0] =	ssyncset.done @!p0 $0x0  }
0x1f8: {  	[sflag:s0] =	ssyncadd.s32 @!p0 s1  }
0x1f9: {  	[bflag:$0x3] =	sbarrier.arrive $0xFFFF  }
0x1fa: {  	_ =	shalt  }

</sc_bundles>
